<compile_context>
chip_gen: v7x
topology: tpu7x:2x2x1
jax: 0.10.2.dev20260603
libtpu: 0.0.44.dev20260713+nightly
codegen_flags: <defaults>
</compile_context>

<pallas_src>
import functools

import jax
import jax.numpy as jnp
from jax import lax
from jax.experimental import pallas as pl
from jax.experimental.pallas import tpu as pltpu
from jax.experimental.pallas import tpu_sc as plsc

_L = 16
_CW = 512


def _make_gather(num_rows: int, dim: int, batch: int):
    info = plsc.get_sparse_core_info()
    nc, ns = info.num_cores, info.num_subcores
    nw = nc * ns
    nblk_all = num_rows // 128
    tail0 = nblk_all * 128
    n_tail = num_rows - tail0
    base_blk = nblk_all // nw
    extra = nblk_all - base_blk * nw
    share = batch // ns

    mesh = plsc.VectorSubcoreMesh(core_axis_name="c", subcore_axis_name="s")

    @functools.partial(
        pl.kernel,
        mesh=mesh,
        out_type=jax.ShapeDtypeStruct((batch * dim,), jnp.float32),
        compiler_params=pltpu.CompilerParams(
            needs_layout_passes=False,
            skip_device_barrier=True,
            disable_bounds_checks=True,
            disable_semaphore_checks=True,
        ),
        scratch_types=[
            pltpu.VMEM((batch,), jnp.int32),
            pltpu.VMEM((batch,), jnp.int32),
            pltpu.VMEM((batch,), jnp.int32),
            pltpu.VMEM((dim, _CW), jnp.float32),
            pltpu.VMEM((dim, _CW), jnp.float32),
            pltpu.VMEM((dim,), jnp.float32),
            pltpu.VMEM((n_tail, dim), jnp.float32),
            pltpu.SemaphoreType.DMA,
            pltpu.SemaphoreType.DMA,
        ],
    )
    def gather(
        idx_hbm, tab_hbm, tail_hbm, out_hbm, idx_v, kept_v, work_v,
        buf0, buf1, rowb, tailv, sem0, sem1,
    ):
        cid = lax.axis_index("c")
        sid = lax.axis_index("s")
        w = sid * nc + cid
        lane = lax.iota(jnp.int32, _L)

        start_blk = w * base_blk + jnp.minimum(w, extra)
        n_blk = base_blk + jnp.where(w < extra, 1, 0)
        col_lo = start_blk * 128
        col_hi = (start_blk + n_blk) * 128
        col_hi = jnp.where(w == nw - 1, num_rows, col_hi)
        n_ch = (n_blk * 128 + _CW - 1) // _CW

        pltpu.sync_copy(idx_hbm, idx_v)

        def chunk_col0(k):
            return col_lo + k * _CW

        pltpu.async_copy(
            tab_hbm.at[:, pl.ds(chunk_col0(0), _CW)], buf0, sem0
        )

        def scan_body(g, p):
            iv = lane + g * _L
            rv = idx_v[pl.ds(g * _L, _L)]
            m = (rv >= col_lo) & (rv < col_hi)
            plsc.store_compressed(kept_v.at[pl.ds(p, _L)], iv, mask=m)
            return p + jnp.max(plsc.all_reduce_population_count(m))

        n_kept = lax.fori_loop(0, batch // _L, scan_body, jnp.int32(0))

        @pl.when(1 < n_ch)
        def _():
            pltpu.async_copy(
                tab_hbm.at[:, pl.ds(chunk_col0(1), _CW)], buf1, sem1
            )

        def select(buf, c0, cwidth):

            def wscan(t, q):
                valid = (lane + t * _L) < n_kept
                kv = plsc.load_gather(kept_v, [lane + t * _L], mask=valid)
                rv = plsc.load_gather(idx_v, [kv], mask=valid)
                m = valid & (rv >= c0) & (rv < c0 + cwidth)
                plsc.store_compressed(work_v.at[pl.ds(q, _L)], kv, mask=m)
                return q + jnp.max(plsc.all_reduce_population_count(m))

            n_work = lax.fori_loop(
                0, (n_kept + _L - 1) // _L, wscan, jnp.int32(0)
            )

            def emit(e, carry):
                isplat = plsc.load_gather(work_v, [jnp.broadcast_to(e, (_L,))])
                rsplat = plsc.load_gather(idx_v, [isplat])
                colv = rsplat - c0
                for f0 in range(0, dim, _L):
                    rowb[pl.ds(f0, _L)] = plsc.load_gather(
                        buf, [lane + f0, colv]
                    )
                i_s = jnp.max(isplat)
                pltpu.sync_copy(rowb, out_hbm.at[pl.ds(i_s * dim, dim)])
                return carry

            lax.fori_loop(0, n_work, emit, 0)

        def pair_body(q, carry):
            for b, (buf, sem) in enumerate(((buf0, sem0), (buf1, sem1))):
                k = q * 2 + b

                @pl.when(k < n_ch)
                def _():
                    pltpu.make_async_copy(
                        tab_hbm.at[:, pl.ds(0, _CW)], buf, sem
                    ).wait()
                    select(buf, chunk_col0(k), _CW)

                    @pl.when(k + 2 < n_ch)
                    def _():
                        pltpu.async_copy(
                            tab_hbm.at[:, pl.ds(chunk_col0(k + 2), _CW)],
                            buf,
                            sem,
                        )

            return carry

        max_pairs = (base_blk * 128 // _CW + 1 + 1) // 2 + 1
        lax.fori_loop(0, max_pairs, pair_body, 0)

        @pl.when(w == nw - 1)
        def _():
            pltpu.sync_copy(tail_hbm, tailv)

            def twscan(t, q):
                valid = (lane + t * _L) < n_kept
                kv = plsc.load_gather(kept_v, [lane + t * _L], mask=valid)
                rv = plsc.load_gather(idx_v, [kv], mask=valid)
                m = valid & (rv >= tail0)
                plsc.store_compressed(work_v.at[pl.ds(q, _L)], kv, mask=m)
                return q + jnp.max(plsc.all_reduce_population_count(m))

            n_tw = lax.fori_loop(
                0, (n_kept + _L - 1) // _L, twscan, jnp.int32(0)
            )

            def temit(e, carry):
                isplat = plsc.load_gather(work_v, [jnp.broadcast_to(e, (_L,))])
                rsplat = plsc.load_gather(idx_v, [isplat])
                rloc = rsplat - tail0
                for f0 in range(0, dim, _L):
                    rowb[pl.ds(f0, _L)] = plsc.load_gather(
                        tailv, [rloc, lane + f0]
                    )
                i_s = jnp.max(isplat)
                pltpu.sync_copy(rowb, out_hbm.at[pl.ds(i_s * dim, dim)])
                return carry

            lax.fori_loop(0, n_tw, temit, 0)


    return gather


def kernel(ind, z):
    batch = ind.shape[0]
    num_rows, dim = z.shape
    tail0 = (num_rows // 128) * 128
    flat = _make_gather(num_rows, dim, batch)(ind, z.T, z[tail0:])
    return flat.reshape(batch, dim)

# --- scband reference (transcript-rebuilt; emitter-appended) ---
"""Pipeline reference for scband-latent-code-8950711845022 (READ-ONLY COPY).

The authoritative reference and input builder live on the scoring server;
editing this copy changes nothing except your own understanding.
"""

import jax, jax.numpy as jnp
import numpy as np

N_IDEN = 1000000
DIM = 64
BATCH = 16384

def setup_inputs(seed: int = 0) -> dict:
    key = jax.random.key(seed)
    k_ind, k_z = jax.random.split(key)
    ind = jax.random.randint(k_ind, (BATCH,), 0, N_IDEN, dtype=jnp.int64 if jax.config.read('jax_enable_x64') else jnp.int32)
    ind = ind.astype(jnp.int32)
    # Latent code table, initialized from N(mean=0.0, std=1.0) as in tf.random_normal_initializer
    z = jax.random.normal(k_z, (N_IDEN, DIM), dtype=jnp.float32) * 1.0 + 0.0
    return {"ind": ind, "z": z}

def reference(ind, z):
    # LatentCode.call: gather rows of the latent table (normalize=False -> raw table)
    # tf.gather_nd(z, ind[:, None]) == z[ind]
    out = jnp.take(z, ind, axis=0)
    return out

if __name__ == "__main__":
    import jax
    _d = setup_inputs()
    print(jax.jit(kernel)(*tuple(_d.values())))

</pallas_src>

<mosaic_0001>
#map = affine_map<(d0, d1) -> (0)>
#map1 = affine_map<(d0, d1) -> (0, 0)>
module attributes {stable_mosaic.version = 14 : i64} {
  func.func @gather(%arg0: i32, %arg1: i32, %arg2: memref<16384xi32, #tpu.memory_space<hbm>>, %arg3: memref<64x1000000xf32, #tpu.memory_space<hbm>>, %arg4: memref<64x64xf32, #tpu.memory_space<hbm>>, %arg5: memref<1048576xf32, #tpu.memory_space<hbm>>, %arg6: memref<16384xi32, #tpu.memory_space<vmem>>, %arg7: memref<16384xi32, #tpu.memory_space<vmem>>, %arg8: memref<16384xi32, #tpu.memory_space<vmem>>, %arg9: memref<64x512xf32, #tpu.memory_space<vmem>>, %arg10: memref<64x512xf32, #tpu.memory_space<vmem>>, %arg11: memref<64xf32, #tpu.memory_space<vmem>>, %arg12: memref<64x64xf32, #tpu.memory_space<vmem>>, %arg13: memref<!tpu.dma_semaphore, #tpu.memory_space<semaphore_mem>>, %arg14: memref<!tpu.dma_semaphore, #tpu.memory_space<semaphore_mem>>) attributes {dimension_semantics = [#tpu.dimension_semantics<core_parallel>, #tpu.dimension_semantics<subcore_parallel>], iteration_bounds = array<i64: 2, 16>, scalar_prefetch = 0 : i64, scratch_operands = 9 : i64, tpu.core_type = #tpu.core_type<sc_vector_subcore>, window_params = [{transform_indices = #map}, {transform_indices = #map1}, {transform_indices = #map1}, {transform_indices = #map}]} {
    %mul3A = arith.constant 2 : i32
    %mul3A_0 = arith.muli %arg1, %mul3A : i32
    %add3A = arith.addi %mul3A_0, %arg0 : i32
    %iota3A = tpu.iota {dimensions = array<i32: 0>} : vector<16xi32>
    %mul3A_1 = arith.constant 244 : i32
    %mul3A_2 = arith.muli %add3A, %mul3A_1 : i32
    %min3A = arith.constant 4 : i32
    %min3A_3 = arith.minsi %add3A, %min3A : i32
    %add3A_4 = arith.addi %mul3A_2, %min3A_3 : i32
    %lt3A = arith.constant 4 : i32
    %lt3A_5 = arith.cmpi slt, %add3A, %lt3A : i32
    %jit3A = arith.constant 1 : i32
    %jit3A_6 = arith.constant 0 : i32
    %select_n3A = arith.select %lt3A_5, %jit3A, %jit3A_6 : i32
    %add3A_7 = arith.constant 244 : i32
    %add3A_8 = arith.addi %add3A_7, %select_n3A : i32
    %mul3A_9 = arith.constant 128 : i32
    %mul3A_10 = arith.muli %add3A_4, %mul3A_9 : i32
    %add3A_11 = arith.addi %add3A_4, %add3A_8 : i32
    %mul3A_12 = arith.constant 128 : i32
    %mul3A_13 = arith.muli %add3A_11, %mul3A_12 : i32
    %eq3A = arith.constant 31 : i32
    %eq3A_14 = arith.cmpi eq, %add3A, %eq3A : i32
    %jit3A_15 = arith.constant 1000000 : i32
    %select_n3A_16 = arith.select %eq3A_14, %jit3A_15, %mul3A_13 : i32
    %mul3A_17 = arith.constant 128 : i32
    %mul3A_18 = arith.muli %add3A_8, %mul3A_17 : i32
    %add3A_19 = arith.constant 512 : i32
    %add3A_20 = arith.addi %mul3A_18, %add3A_19 : i32
    %sub3A = arith.constant 1 : i32
    %sub3A_21 = arith.subi %add3A_20, %sub3A : i32
    %jit3A_22 = arith.constant 512 : i32
    %div3A = arith.divsi %sub3A_21, %jit3A_22 : i32
    %sign3A = arith.constant 0 : i32
    %sign3A_23 = arith.cmpi sgt, %sub3A_21, %sign3A : i32
    %sign3A_24 = arith.extui %sign3A_23 : i1 to i32
    %sign3A_25 = arith.constant 0 : i32
    %sign3A_26 = arith.cmpi slt, %sub3A_21, %sign3A_25 : i32
    %sign3A_27 = arith.extui %sign3A_26 : i1 to i32
    %sign3A_28 = arith.subi %sign3A_24, %sign3A_27 : i32
    %sign3A_29 = arith.constant 0 : i32
    %sign3A_30 = arith.cmpi sgt, %jit3A_22, %sign3A_29 : i32
    %sign3A_31 = arith.extui %sign3A_30 : i1 to i32
    %sign3A_32 = arith.constant 0 : i32
    %sign3A_33 = arith.cmpi slt, %jit3A_22, %sign3A_32 : i32
    %sign3A_34 = arith.extui %sign3A_33 : i1 to i32
    %sign3A_35 = arith.subi %sign3A_31, %sign3A_34 : i32
    %ne3A = arith.cmpi ne, %sign3A_28, %sign3A_35 : i32
    %rem3A = arith.remsi %sub3A_21, %jit3A_22 : i32
    %ne3A_36 = arith.constant 0 : i32
    %ne3A_37 = arith.cmpi ne, %rem3A, %ne3A_36 : i32
    %and3A = arith.andi %ne3A, %ne3A_37 : i1
    %sub3A_38 = arith.constant 1 : i32
    %sub3A_39 = arith.subi %div3A, %sub3A_38 : i32
    %select_n3A_40 = arith.select %and3A, %sub3A_39, %div3A : i32
    "tpu.region"() ({
      %run_scoped3A = tpu.sem_alloc : memref<!tpu.dma_semaphore, #tpu.memory_space<semaphore_mem>>
      tpu.enqueue_dma source(%arg2 : memref<16384xi32, #tpu.memory_space<hbm>>) target(%arg6 : memref<16384xi32, #tpu.memory_space<vmem>>) target_semaphore(%run_scoped3A : memref<!tpu.dma_semaphore, #tpu.memory_space<semaphore_mem>>)
      tpu.wait_dma2 semaphore(%run_scoped3A : memref<!tpu.dma_semaphore, #tpu.memory_space<semaphore_mem>>) src(%arg2 : memref<16384xi32, #tpu.memory_space<hbm>>) dst(%arg6 : memref<16384xi32, #tpu.memory_space<vmem>>)
      tpu.yield
    }) : () -> ()
    %add3A_41 = arith.constant 0 : i32
    %add3A_42 = arith.addi %mul3A_10, %add3A_41 : i32
    %dma_start3A = arith.constant 0 : i32
    %dma_start3A_43 = tpu.memref_slice %arg3[%dma_start3A, %add3A_42] : memref<64x1000000xf32, #tpu.memory_space<hbm>> -> memref<64x512xf32, #tpu.memory_space<hbm>>
    %dma_start3A_44 = arith.constant 0 : i32
    %dma_start3A_45 = tpu.memref_slice %arg3[%dma_start3A_44, %add3A_42] : memref<64x1000000xf32, #tpu.memory_space<hbm>> -> memref<64x512xf32, #tpu.memory_space<hbm>>
    tpu.enqueue_dma source(%dma_start3A_45 : memref<64x512xf32, #tpu.memory_space<hbm>>) target(%arg9 : memref<64x512xf32, #tpu.memory_space<vmem>>) target_semaphore(%arg13 : memref<!tpu.dma_semaphore, #tpu.memory_space<semaphore_mem>>)
    %scan3A = arith.constant 0 : i32
    %scan3A_46 = arith.constant 0 : i32
    %scan3A_47 = arith.constant 1024 : i32
    %scan3A_48 = arith.addi %scan3A_46, %scan3A_47 : i32
    %scan3A_49 = arith.constant 1 : i32
    %scan3A_50 = scf.for %scan3A_65 = %scan3A_46 to %scan3A_48 step %scan3A_49 iter_args(%scan3A_66 = %scan3A) -> (i32)  : i32 {
      %mul3A_67 = arith.constant 16 : i32
      %mul3A_68 = arith.muli %scan3A_65, %mul3A_67 : i32
      %add3A_69 = vector.broadcast %mul3A_68 : i32 to vector<16xi32>
      %add3A_70 = arith.addi %iota3A, %add3A_69 : vector<16xi32>
      %mul3A_71 = arith.constant 16 : i32
      %mul3A_72 = arith.muli %scan3A_65, %mul3A_71 : i32
      %get3A = arith.index_cast %mul3A_72 : i32 to index
      %get3A_73 = tpu.vector_load %arg6[%get3A] {strides = array<i32>} : memref<16384xi32, #tpu.memory_space<vmem>>, vector<16xi32>,
      %ge3A = vector.broadcast %mul3A_10 : i32 to vector<16xi32>
      %ge3A_74 = arith.cmpi sge, %get3A_73, %ge3A : vector<16xi32>
      %lt3A_75 = vector.broadcast %select_n3A_16 : i32 to vector<16xi32>
      %lt3A_76 = arith.cmpi slt, %get3A_73, %lt3A_75 : vector<16xi32>
      %and3A_77 = arith.andi %ge3A_74, %lt3A_76 : vector<16xi1>
      %swap3A = arith.index_cast %scan3A_66 : i32 to index
      %swap3A_78 = tpu.vector_load %arg7[%swap3A] masked %and3A_77 {strides = array<i32>} : memref<16384xi32, #tpu.memory_space<vmem>>, vector<16xi32>, vector<16xi1>
      tpu.vector_store %arg7[%swap3A], %add3A_70 masked %and3A_77 {strides = array<i32>} : memref<16384xi32, #tpu.memory_space<vmem>>, vector<16xi32>, vector<16xi1>
      %all_reduce_population_count3A = tpu.all_reduce %and3A_77 {dim = 0 : i64, kind = #tpu.reduction_kind<sum>} : vector<16xi1> -> vector<16xi32>
      %reduce_max3A = arith.constant true
      %reduce_max3A_79 = vector.broadcast %reduce_max3A : i1 to vector<16xi1>
      %reduce_max3A_80 = arith.constant -2147483648 : i32
      %reduce_max3A_81 = vector.broadcast %reduce_max3A_80 : i32 to vector<16xi32>
      %reduce_max3A_82 = arith.xori %all_reduce_population_count3A, %reduce_max3A_81 : vector<16xi32>
      %reduce_max3A_83 = tpu.scan <max>, %reduce_max3A_82 masked %reduce_max3A_79 : vector<16xi32>, vector<16xi1> -> vector<16xi32>
      %reduce_max3A_84 = arith.xori %reduce_max3A_83, %reduce_max3A_81 : vector<16xi32>
      %reduce_max3A_85 = vector.extract %reduce_max3A_84[15] : i32 from vector<16xi32>
      %add3A_86 = arith.addi %scan3A_66, %reduce_max3A_85 : i32
      scf.yield %add3A_86 : i32
    }
    %scan3A_51 = arith.constant 1024 : i32
    %gt3A = arith.constant 1 : i32
    %gt3A_52 = arith.cmpi sgt, %select_n3A_40, %gt3A : i32
    %convert_element_type3A = arith.extui %gt3A_52 : i1 to i32
    %cond3A = arith.constant 0 : i32
    %cond3A_53 = arith.cmpi ne, %convert_element_type3A, %cond3A : i32
    scf.if %cond3A_53 {
      %add3A_65 = arith.constant 512 : i32
      %add3A_66 = arith.addi %mul3A_10, %add3A_65 : i32
      %dma_start3A_67 = arith.constant 0 : i32
      %dma_start3A_68 = tpu.memref_slice %arg3[%dma_start3A_67, %add3A_66] : memref<64x1000000xf32, #tpu.memory_space<hbm>> -> memref<64x512xf32, #tpu.memory_space<hbm>>
      %dma_start3A_69 = arith.constant 0 : i32
      %dma_start3A_70 = tpu.memref_slice %arg3[%dma_start3A_69, %add3A_66] : memref<64x1000000xf32, #tpu.memory_space<hbm>> -> memref<64x512xf32, #tpu.memory_space<hbm>>
      tpu.enqueue_dma source(%dma_start3A_70 : memref<64x512xf32, #tpu.memory_space<hbm>>) target(%arg10 : memref<64x512xf32, #tpu.memory_space<vmem>>) target_semaphore(%arg14 : memref<!tpu.dma_semaphore, #tpu.memory_space<semaphore_mem>>)
    } else {
    }
    %scan3A_54 = arith.constant 0 : i32
    %scan3A_55 = arith.constant 0 : i32
    %scan3A_56 = arith.constant 32 : i32
    %scan3A_57 = arith.addi %scan3A_55, %scan3A_56 : i32
    %scan3A_58 = arith.constant 1 : i32
    scf.for %scan3A_65 = %scan3A_55 to %scan3A_57 step %scan3A_58  : i32 {
      %mul3A_66 = arith.constant 2 : i32
      %mul3A_67 = arith.muli %scan3A_65, %mul3A_66 : i32
      %add3A_68 = arith.constant 0 : i32
      %add3A_69 = arith.addi %mul3A_67, %add3A_68 : i32
      %lt3A_70 = arith.cmpi slt, %add3A_69, %select_n3A_40 : i32
      %convert_element_type3A_71 = arith.extui %lt3A_70 : i1 to i32
      %cond3A_72 = arith.constant 0 : i32
      %cond3A_73 = arith.cmpi ne, %convert_element_type3A_71, %cond3A_72 : i32
      scf.if %cond3A_73 {
        %dma_wait3A = arith.constant 0 : i32
        %dma_wait3A_82 = arith.constant 0 : i32
        %dma_wait3A_83 = tpu.memref_slice %arg3[%dma_wait3A, %dma_wait3A_82] : memref<64x1000000xf32, #tpu.memory_space<hbm>> -> memref<64x512xf32, #tpu.memory_space<hbm>>
        %dma_wait3A_84 = arith.constant 0 : i32
        %dma_wait3A_85 = arith.constant 0 : i32
        %dma_wait3A_86 = tpu.memref_slice %arg3[%dma_wait3A_84, %dma_wait3A_85] : memref<64x1000000xf32, #tpu.memory_space<hbm>> -> memref<64x512xf32, #tpu.memory_space<hbm>>
        tpu.wait_dma2 semaphore(%arg13 : memref<!tpu.dma_semaphore, #tpu.memory_space<semaphore_mem>>) src(%dma_wait3A_86 : memref<64x512xf32, #tpu.memory_space<hbm>>) dst(%arg9 : memref<64x512xf32, #tpu.memory_space<vmem>>)
        %mul3A_87 = arith.constant 512 : i32
        %mul3A_88 = arith.muli %add3A_69, %mul3A_87 : i32
        %add3A_89 = arith.addi %mul3A_10, %mul3A_88 : i32
        %add3A_90 = arith.constant 16 : i32
        %add3A_91 = arith.addi %scan3A_50, %add3A_90 : i32
        %sub3A_92 = arith.constant 1 : i32
        %sub3A_93 = arith.subi %add3A_91, %sub3A_92 : i32
        %jit3A_94 = arith.constant 16 : i32
        %div3A_95 = arith.divsi %sub3A_93, %jit3A_94 : i32
        %sign3A_96 = arith.constant 0 : i32
        %sign3A_97 = arith.cmpi sgt, %sub3A_93, %sign3A_96 : i32
        %sign3A_98 = arith.extui %sign3A_97 : i1 to i32
        %sign3A_99 = arith.constant 0 : i32
        %sign3A_100 = arith.cmpi slt, %sub3A_93, %sign3A_99 : i32
        %sign3A_101 = arith.extui %sign3A_100 : i1 to i32
        %sign3A_102 = arith.subi %sign3A_98, %sign3A_101 : i32
        %sign3A_103 = arith.constant 0 : i32
        %sign3A_104 = arith.cmpi sgt, %jit3A_94, %sign3A_103 : i32
        %sign3A_105 = arith.extui %sign3A_104 : i1 to i32
        %sign3A_106 = arith.constant 0 : i32
        %sign3A_107 = arith.cmpi slt, %jit3A_94, %sign3A_106 : i32
        %sign3A_108 = arith.extui %sign3A_107 : i1 to i32
        %sign3A_109 = arith.subi %sign3A_105, %sign3A_108 : i32
        %ne3A_110 = arith.cmpi ne, %sign3A_102, %sign3A_109 : i32
        %rem3A_111 = arith.remsi %sub3A_93, %jit3A_94 : i32
        %ne3A_112 = arith.constant 0 : i32
        %ne3A_113 = arith.cmpi ne, %rem3A_111, %ne3A_112 : i32
        %and3A_114 = arith.andi %ne3A_110, %ne3A_113 : i1
        %sub3A_115 = arith.constant 1 : i32
        %sub3A_116 = arith.subi %div3A_95, %sub3A_115 : i32
        %select_n3A_117 = arith.select %and3A_114, %sub3A_116, %div3A_95 : i32
        %while3A = arith.constant 0 : i32
        %while3A_118 = arith.constant 0 : i32
        %while3A_119 = arith.subi %select_n3A_117, %while3A : i32
        %while3A_120 = arith.addi %while3A, %while3A_119 : i32
        %while3A_121 = arith.constant 1 : i32
        %while3A_122 = arith.divsi %while3A_119, %while3A_121 : i32
        %while3A_123 = arith.muli %while3A_122, %while3A_121 : i32
        %while3A_124 = arith.addi %while3A, %while3A_123 : i32
        %while3A_125 = arith.constant 1 : i32
        %while3A_126 = scf.for %while3A_145 = %while3A to %while3A_124 step %while3A_125 iter_args(%while3A_146 = %while3A_118) -> (i32)  : i32 {
          %mul3A_147 = arith.constant 16 : i32
          %mul3A_148 = arith.muli %while3A_145, %mul3A_147 : i32
          %add3A_149 = vector.broadcast %mul3A_148 : i32 to vector<16xi32>
          %add3A_150 = arith.addi %iota3A, %add3A_149 : vector<16xi32>
          %lt3A_151 = vector.broadcast %scan3A_50 : i32 to vector<16xi32>
          %lt3A_152 = arith.cmpi slt, %add3A_150, %lt3A_151 : vector<16xi32>
          %mul3A_153 = arith.constant 16 : i32
          %mul3A_154 = arith.muli %while3A_145, %mul3A_153 : i32
          %add3A_155 = vector.broadcast %mul3A_154 : i32 to vector<16xi32>
          %add3A_156 = arith.addi %iota3A, %add3A_155 : vector<16xi32>
          %gather3A = tpu.vector_load_idx %arg7[%add3A_156] masked %lt3A_152 : memref<16384xi32, #tpu.memory_space<vmem>>[vector<16xi32>], vector<16xi32>, vector<16xi1>
          %gather3A_157 = tpu.vector_load_idx %arg6[%gather3A] masked %lt3A_152 : memref<16384xi32, #tpu.memory_space<vmem>>[vector<16xi32>], vector<16xi32>, vector<16xi1>
          %ge3A = vector.broadcast %add3A_89 : i32 to vector<16xi32>
          %ge3A_158 = arith.cmpi sge, %gather3A_157, %ge3A : vector<16xi32>
          %and3A_159 = arith.andi %lt3A_152, %ge3A_158 : vector<16xi1>
          %add3A_160 = arith.constant 512 : i32
          %add3A_161 = arith.addi %add3A_89, %add3A_160 : i32
          %lt3A_162 = vector.broadcast %add3A_161 : i32 to vector<16xi32>
          %lt3A_163 = arith.cmpi slt, %gather3A_157, %lt3A_162 : vector<16xi32>
          %and3A_164 = arith.andi %and3A_159, %lt3A_163 : vector<16xi1>
          %swap3A = arith.index_cast %while3A_146 : i32 to index
          %swap3A_165 = tpu.vector_load %arg8[%swap3A] masked %and3A_164 {strides = array<i32>} : memref<16384xi32, #tpu.memory_space<vmem>>, vector<16xi32>, vector<16xi1>
          tpu.vector_store %arg8[%swap3A], %gather3A masked %and3A_164 {strides = array<i32>} : memref<16384xi32, #tpu.memory_space<vmem>>, vector<16xi32>, vector<16xi1>
          %all_reduce_population_count3A = tpu.all_reduce %and3A_164 {dim = 0 : i64, kind = #tpu.reduction_kind<sum>} : vector<16xi1> -> vector<16xi32>
          %reduce_max3A = arith.constant true
          %reduce_max3A_166 = vector.broadcast %reduce_max3A : i1 to vector<16xi1>
          %reduce_max3A_167 = arith.constant -2147483648 : i32
          %reduce_max3A_168 = vector.broadcast %reduce_max3A_167 : i32 to vector<16xi32>
          %reduce_max3A_169 = arith.xori %all_reduce_population_count3A, %reduce_max3A_168 : vector<16xi32>
          %reduce_max3A_170 = tpu.scan <max>, %reduce_max3A_169 masked %reduce_max3A_166 : vector<16xi32>, vector<16xi1> -> vector<16xi32>
          %reduce_max3A_171 = arith.xori %reduce_max3A_170, %reduce_max3A_168 : vector<16xi32>
          %reduce_max3A_172 = vector.extract %reduce_max3A_171[15] : i32 from vector<16xi32>
          %add3A_173 = arith.addi %while3A_146, %reduce_max3A_172 : i32
          scf.yield %add3A_173 : i32
        }
        %while3A_127 = arith.constant 1 : i32
        %while3A_128 = scf.for %while3A_145 = %while3A_124 to %while3A_120 step %while3A_127 iter_args(%while3A_146 = %while3A_126) -> (i32)  : i32 {
          %mul3A_147 = arith.constant 16 : i32
          %mul3A_148 = arith.muli %while3A_145, %mul3A_147 : i32
          %add3A_149 = vector.broadcast %mul3A_148 : i32 to vector<16xi32>
          %add3A_150 = arith.addi %iota3A, %add3A_149 : vector<16xi32>
          %lt3A_151 = vector.broadcast %scan3A_50 : i32 to vector<16xi32>
          %lt3A_152 = arith.cmpi slt, %add3A_150, %lt3A_151 : vector<16xi32>
          %mul3A_153 = arith.constant 16 : i32
          %mul3A_154 = arith.muli %while3A_145, %mul3A_153 : i32
          %add3A_155 = vector.broadcast %mul3A_154 : i32 to vector<16xi32>
          %add3A_156 = arith.addi %iota3A, %add3A_155 : vector<16xi32>
          %gather3A = tpu.vector_load_idx %arg7[%add3A_156] masked %lt3A_152 : memref<16384xi32, #tpu.memory_space<vmem>>[vector<16xi32>], vector<16xi32>, vector<16xi1>
          %gather3A_157 = tpu.vector_load_idx %arg6[%gather3A] masked %lt3A_152 : memref<16384xi32, #tpu.memory_space<vmem>>[vector<16xi32>], vector<16xi32>, vector<16xi1>
          %ge3A = vector.broadcast %add3A_89 : i32 to vector<16xi32>
          %ge3A_158 = arith.cmpi sge, %gather3A_157, %ge3A : vector<16xi32>
          %and3A_159 = arith.andi %lt3A_152, %ge3A_158 : vector<16xi1>
          %add3A_160 = arith.constant 512 : i32
          %add3A_161 = arith.addi %add3A_89, %add3A_160 : i32
          %lt3A_162 = vector.broadcast %add3A_161 : i32 to vector<16xi32>
          %lt3A_163 = arith.cmpi slt, %gather3A_157, %lt3A_162 : vector<16xi32>
          %and3A_164 = arith.andi %and3A_159, %lt3A_163 : vector<16xi1>
          %swap3A = arith.index_cast %while3A_146 : i32 to index
          %swap3A_165 = tpu.vector_load %arg8[%swap3A] masked %and3A_164 {strides = array<i32>} : memref<16384xi32, #tpu.memory_space<vmem>>, vector<16xi32>, vector<16xi1>
          tpu.vector_store %arg8[%swap3A], %gather3A masked %and3A_164 {strides = array<i32>} : memref<16384xi32, #tpu.memory_space<vmem>>, vector<16xi32>, vector<16xi1>
          %all_reduce_population_count3A = tpu.all_reduce %and3A_164 {dim = 0 : i64, kind = #tpu.reduction_kind<sum>} : vector<16xi1> -> vector<16xi32>
          %reduce_max3A = arith.constant true
          %reduce_max3A_166 = vector.broadcast %reduce_max3A : i1 to vector<16xi1>
          %reduce_max3A_167 = arith.constant -2147483648 : i32
          %reduce_max3A_168 = vector.broadcast %reduce_max3A_167 : i32 to vector<16xi32>
          %reduce_max3A_169 = arith.xori %all_reduce_population_count3A, %reduce_max3A_168 : vector<16xi32>
          %reduce_max3A_170 = tpu.scan <max>, %reduce_max3A_169 masked %reduce_max3A_166 : vector<16xi32>, vector<16xi1> -> vector<16xi32>
          %reduce_max3A_171 = arith.xori %reduce_max3A_170, %reduce_max3A_168 : vector<16xi32>
          %reduce_max3A_172 = vector.extract %reduce_max3A_171[15] : i32 from vector<16xi32>
          %add3A_173 = arith.addi %while3A_146, %reduce_max3A_172 : i32
          scf.yield %add3A_173 : i32
        }
        %while3A_129 = arith.constant 0 : i32
        %while3A_130 = arith.constant 0 : i32
        %while3A_131 = arith.subi %while3A_128, %while3A_130 : i32
        %while3A_132 = arith.addi %while3A_130, %while3A_131 : i32
        %while3A_133 = arith.constant 1 : i32
        %while3A_134 = arith.divsi %while3A_131, %while3A_133 : i32
        %while3A_135 = arith.muli %while3A_134, %while3A_133 : i32
        %while3A_136 = arith.addi %while3A_130, %while3A_135 : i32
        %while3A_137 = arith.constant 1 : i32
        scf.for %while3A_145 = %while3A_130 to %while3A_136 step %while3A_137  : i32 {
          %broadcast_in_dim3A = vector.broadcast %while3A_145 : i32 to vector<16xi32>
          %gather3A = tpu.vector_load_idx %arg8[%broadcast_in_dim3A] : memref<16384xi32, #tpu.memory_space<vmem>>[vector<16xi32>], vector<16xi32>,
          %gather3A_146 = tpu.vector_load_idx %arg6[%gather3A] : memref<16384xi32, #tpu.memory_space<vmem>>[vector<16xi32>], vector<16xi32>,
          %sub3A_147 = vector.broadcast %add3A_89 : i32 to vector<16xi32>
          %sub3A_148 = arith.subi %gather3A_146, %sub3A_147 : vector<16xi32>
          %add3A_149 = arith.constant 0 : i32
          %add3A_150 = vector.broadcast %add3A_149 : i32 to vector<16xi32>
          %add3A_151 = arith.addi %iota3A, %add3A_150 : vector<16xi32>
          %gather3A_152 = tpu.vector_load_idx %arg9[%add3A_151, %sub3A_148] : memref<64x512xf32, #tpu.memory_space<vmem>>[vector<16xi32>, vector<16xi32>], vector<16xf32>,
          %swap3A = arith.constant 0 : index
          %swap3A_153 = tpu.vector_load %arg11[%swap3A] {strides = array<i32>} : memref<64xf32, #tpu.memory_space<vmem>>, vector<16xf32>,
          tpu.vector_store %arg11[%swap3A], %gather3A_152 {strides = array<i32>} : memref<64xf32, #tpu.memory_space<vmem>>, vector<16xf32>,
          %add3A_154 = arith.constant 16 : i32
          %add3A_155 = vector.broadcast %add3A_154 : i32 to vector<16xi32>
          %add3A_156 = arith.addi %iota3A, %add3A_155 : vector<16xi32>
          %gather3A_157 = tpu.vector_load_idx %arg9[%add3A_156, %sub3A_148] : memref<64x512xf32, #tpu.memory_space<vmem>>[vector<16xi32>, vector<16xi32>], vector<16xf32>,
          %swap3A_158 = arith.constant 16 : index
          %swap3A_159 = tpu.vector_load %arg11[%swap3A_158] {strides = array<i32>} : memref<64xf32, #tpu.memory_space<vmem>>, vector<16xf32>,
          tpu.vector_store %arg11[%swap3A_158], %gather3A_157 {strides = array<i32>} : memref<64xf32, #tpu.memory_space<vmem>>, vector<16xf32>,
          %add3A_160 = arith.constant 32 : i32
          %add3A_161 = vector.broadcast %add3A_160 : i32 to vector<16xi32>
          %add3A_162 = arith.addi %iota3A, %add3A_161 : vector<16xi32>
          %gather3A_163 = tpu.vector_load_idx %arg9[%add3A_162, %sub3A_148] : memref<64x512xf32, #tpu.memory_space<vmem>>[vector<16xi32>, vector<16xi32>], vector<16xf32>,
          %swap3A_164 = arith.constant 32 : index
          %swap3A_165 = tpu.vector_load %arg11[%swap3A_164] {strides = array<i32>} : memref<64xf32, #tpu.memory_space<vmem>>, vector<16xf32>,
          tpu.vector_store %arg11[%swap3A_164], %gather3A_163 {strides = array<i32>} : memref<64xf32, #tpu.memory_space<vmem>>, vector<16xf32>,
          %add3A_166 = arith.constant 48 : i32
          %add3A_167 = vector.broadcast %add3A_166 : i32 to vector<16xi32>
          %add3A_168 = arith.addi %iota3A, %add3A_167 : vector<16xi32>
          %gather3A_169 = tpu.vector_load_idx %arg9[%add3A_168, %sub3A_148] : memref<64x512xf32, #tpu.memory_space<vmem>>[vector<16xi32>, vector<16xi32>], vector<16xf32>,
          %swap3A_170 = arith.constant 48 : index
          %swap3A_171 = tpu.vector_load %arg11[%swap3A_170] {strides = array<i32>} : memref<64xf32, #tpu.memory_space<vmem>>, vector<16xf32>,
          tpu.vector_store %arg11[%swap3A_170], %gather3A_169 {strides = array<i32>} : memref<64xf32, #tpu.memory_space<vmem>>, vector<16xf32>,
          %reduce_max3A = arith.constant true
          %reduce_max3A_172 = vector.broadcast %reduce_max3A : i1 to vector<16xi1>
          %reduce_max3A_173 = arith.constant -2147483648 : i32
          %reduce_max3A_174 = vector.broadcast %reduce_max3A_173 : i32 to vector<16xi32>
          %reduce_max3A_175 = arith.xori %gather3A, %reduce_max3A_174 : vector<16xi32>
          %reduce_max3A_176 = tpu.scan <max>, %reduce_max3A_175 masked %reduce_max3A_172 : vector<16xi32>, vector<16xi1> -> vector<16xi32>
          %reduce_max3A_177 = arith.xori %reduce_max3A_176, %reduce_max3A_174 : vector<16xi32>
          %reduce_max3A_178 = vector.extract %reduce_max3A_177[15] : i32 from vector<16xi32>
          %mul3A_179 = arith.constant 64 : i32
          %mul3A_180 = arith.muli %reduce_max3A_178, %mul3A_179 : i32
          "tpu.region"() ({
            %run_scoped3A = tpu.sem_alloc : memref<!tpu.dma_semaphore, #tpu.memory_space<semaphore_mem>>
            %dma_start3A_181 = tpu.memref_slice %arg5[%mul3A_180] : memref<1048576xf32, #tpu.memory_space<hbm>> -> memref<64xf32, #tpu.memory_space<hbm>>
            %dma_start3A_182 = tpu.memref_slice %arg5[%mul3A_180] : memref<1048576xf32, #tpu.memory_space<hbm>> -> memref<64xf32, #tpu.memory_space<hbm>>
            tpu.enqueue_dma source(%arg11 : memref<64xf32, #tpu.memory_space<vmem>>) target(%dma_start3A_182 : memref<64xf32, #tpu.memory_space<hbm>>) target_semaphore(%run_scoped3A : memref<!tpu.dma_semaphore, #tpu.memory_space<semaphore_mem>>)
            %dma_wait3A_183 = tpu.memref_slice %arg5[%mul3A_180] : memref<1048576xf32, #tpu.memory_space<hbm>> -> memref<64xf32, #tpu.memory_space<hbm>>
            %dma_wait3A_184 = tpu.memref_slice %arg5[%mul3A_180] : memref<1048576xf32, #tpu.memory_space<hbm>> -> memref<64xf32, #tpu.memory_space<hbm>>
            tpu.wait_dma2 semaphore(%run_scoped3A : memref<!tpu.dma_semaphore, #tpu.memory_space<semaphore_mem>>) src(%arg11 : memref<64xf32, #tpu.memory_space<vmem>>) dst(%dma_wait3A_184 : memref<64xf32, #tpu.memory_space<hbm>>)
            tpu.yield
          }) : () -> ()
        }
        %while3A_138 = arith.constant 1 : i32
        scf.for %while3A_145 = %while3A_136 to %while3A_132 step %while3A_138  : i32 {
          %broadcast_in_dim3A = vector.broadcast %while3A_145 : i32 to vector<16xi32>
          %gather3A = tpu.vector_load_idx %arg8[%broadcast_in_dim3A] : memref<16384xi32, #tpu.memory_space<vmem>>[vector<16xi32>], vector<16xi32>,
          %gather3A_146 = tpu.vector_load_idx %arg6[%gather3A] : memref<16384xi32, #tpu.memory_space<vmem>>[vector<16xi32>], vector<16xi32>,
          %sub3A_147 = vector.broadcast %add3A_89 : i32 to vector<16xi32>
          %sub3A_148 = arith.subi %gather3A_146, %sub3A_147 : vector<16xi32>
          %add3A_149 = arith.constant 0 : i32
          %add3A_150 = vector.broadcast %add3A_149 : i32 to vector<16xi32>
          %add3A_151 = arith.addi %iota3A, %add3A_150 : vector<16xi32>
          %gather3A_152 = tpu.vector_load_idx %arg9[%add3A_151, %sub3A_148] : memref<64x512xf32, #tpu.memory_space<vmem>>[vector<16xi32>, vector<16xi32>], vector<16xf32>,
          %swap3A = arith.constant 0 : index
          %swap3A_153 = tpu.vector_load %arg11[%swap3A] {strides = array<i32>} : memref<64xf32, #tpu.memory_space<vmem>>, vector<16xf32>,
          tpu.vector_store %arg11[%swap3A], %gather3A_152 {strides = array<i32>} : memref<64xf32, #tpu.memory_space<vmem>>, vector<16xf32>,
          %add3A_154 = arith.constant 16 : i32
          %add3A_155 = vector.broadcast %add3A_154 : i32 to vector<16xi32>
          %add3A_156 = arith.addi %iota3A, %add3A_155 : vector<16xi32>
          %gather3A_157 = tpu.vector_load_idx %arg9[%add3A_156, %sub3A_148] : memref<64x512xf32, #tpu.memory_space<vmem>>[vector<16xi32>, vector<16xi32>], vector<16xf32>,
          %swap3A_158 = arith.constant 16 : index
          %swap3A_159 = tpu.vector_load %arg11[%swap3A_158] {strides = array<i32>} : memref<64xf32, #tpu.memory_space<vmem>>, vector<16xf32>,
          tpu.vector_store %arg11[%swap3A_158], %gather3A_157 {strides = array<i32>} : memref<64xf32, #tpu.memory_space<vmem>>, vector<16xf32>,
          %add3A_160 = arith.constant 32 : i32
          %add3A_161 = vector.broadcast %add3A_160 : i32 to vector<16xi32>
          %add3A_162 = arith.addi %iota3A, %add3A_161 : vector<16xi32>
          %gather3A_163 = tpu.vector_load_idx %arg9[%add3A_162, %sub3A_148] : memref<64x512xf32, #tpu.memory_space<vmem>>[vector<16xi32>, vector<16xi32>], vector<16xf32>,
          %swap3A_164 = arith.constant 32 : index
          %swap3A_165 = tpu.vector_load %arg11[%swap3A_164] {strides = array<i32>} : memref<64xf32, #tpu.memory_space<vmem>>, vector<16xf32>,
          tpu.vector_store %arg11[%swap3A_164], %gather3A_163 {strides = array<i32>} : memref<64xf32, #tpu.memory_space<vmem>>, vector<16xf32>,
          %add3A_166 = arith.constant 48 : i32
          %add3A_167 = vector.broadcast %add3A_166 : i32 to vector<16xi32>
          %add3A_168 = arith.addi %iota3A, %add3A_167 : vector<16xi32>
          %gather3A_169 = tpu.vector_load_idx %arg9[%add3A_168, %sub3A_148] : memref<64x512xf32, #tpu.memory_space<vmem>>[vector<16xi32>, vector<16xi32>], vector<16xf32>,
          %swap3A_170 = arith.constant 48 : index
          %swap3A_171 = tpu.vector_load %arg11[%swap3A_170] {strides = array<i32>} : memref<64xf32, #tpu.memory_space<vmem>>, vector<16xf32>,
          tpu.vector_store %arg11[%swap3A_170], %gather3A_169 {strides = array<i32>} : memref<64xf32, #tpu.memory_space<vmem>>, vector<16xf32>,
          %reduce_max3A = arith.constant true
          %reduce_max3A_172 = vector.broadcast %reduce_max3A : i1 to vector<16xi1>
          %reduce_max3A_173 = arith.constant -2147483648 : i32
          %reduce_max3A_174 = vector.broadcast %reduce_max3A_173 : i32 to vector<16xi32>
          %reduce_max3A_175 = arith.xori %gather3A, %reduce_max3A_174 : vector<16xi32>
          %reduce_max3A_176 = tpu.scan <max>, %reduce_max3A_175 masked %reduce_max3A_172 : vector<16xi32>, vector<16xi1> -> vector<16xi32>
          %reduce_max3A_177 = arith.xori %reduce_max3A_176, %reduce_max3A_174 : vector<16xi32>
          %reduce_max3A_178 = vector.extract %reduce_max3A_177[15] : i32 from vector<16xi32>
          %mul3A_179 = arith.constant 64 : i32
          %mul3A_180 = arith.muli %reduce_max3A_178, %mul3A_179 : i32
          "tpu.region"() ({
            %run_scoped3A = tpu.sem_alloc : memref<!tpu.dma_semaphore, #tpu.memory_space<semaphore_mem>>
            %dma_start3A_181 = tpu.memref_slice %arg5[%mul3A_180] : memref<1048576xf32, #tpu.memory_space<hbm>> -> memref<64xf32, #tpu.memory_space<hbm>>
            %dma_start3A_182 = tpu.memref_slice %arg5[%mul3A_180] : memref<1048576xf32, #tpu.memory_space<hbm>> -> memref<64xf32, #tpu.memory_space<hbm>>
            tpu.enqueue_dma source(%arg11 : memref<64xf32, #tpu.memory_space<vmem>>) target(%dma_start3A_182 : memref<64xf32, #tpu.memory_space<hbm>>) target_semaphore(%run_scoped3A : memref<!tpu.dma_semaphore, #tpu.memory_space<semaphore_mem>>)
            %dma_wait3A_183 = tpu.memref_slice %arg5[%mul3A_180] : memref<1048576xf32, #tpu.memory_space<hbm>> -> memref<64xf32, #tpu.memory_space<hbm>>
            %dma_wait3A_184 = tpu.memref_slice %arg5[%mul3A_180] : memref<1048576xf32, #tpu.memory_space<hbm>> -> memref<64xf32, #tpu.memory_space<hbm>>
            tpu.wait_dma2 semaphore(%run_scoped3A : memref<!tpu.dma_semaphore, #tpu.memory_space<semaphore_mem>>) src(%arg11 : memref<64xf32, #tpu.memory_space<vmem>>) dst(%dma_wait3A_184 : memref<64xf32, #tpu.memory_space<hbm>>)
            tpu.yield
          }) : () -> ()
        }
        %add3A_139 = arith.constant 2 : i32
        %add3A_140 = arith.addi %add3A_69, %add3A_139 : i32
        %lt3A_141 = arith.cmpi slt, %add3A_140, %select_n3A_40 : i32
        %convert_element_type3A_142 = arith.extui %lt3A_141 : i1 to i32
        %cond3A_143 = arith.constant 0 : i32
        %cond3A_144 = arith.cmpi ne, %convert_element_type3A_142, %cond3A_143 : i32
        scf.if %cond3A_144 {
          %add3A_145 = arith.constant 2 : i32
          %add3A_146 = arith.addi %add3A_69, %add3A_145 : i32
          %mul3A_147 = arith.constant 512 : i32
          %mul3A_148 = arith.muli %add3A_146, %mul3A_147 : i32
          %add3A_149 = arith.addi %mul3A_10, %mul3A_148 : i32
          %dma_start3A_150 = arith.constant 0 : i32
          %dma_start3A_151 = tpu.memref_slice %arg3[%dma_start3A_150, %add3A_149] : memref<64x1000000xf32, #tpu.memory_space<hbm>> -> memref<64x512xf32, #tpu.memory_space<hbm>>
          %dma_start3A_152 = arith.constant 0 : i32
          %dma_start3A_153 = tpu.memref_slice %arg3[%dma_start3A_152, %add3A_149] : memref<64x1000000xf32, #tpu.memory_space<hbm>> -> memref<64x512xf32, #tpu.memory_space<hbm>>
          tpu.enqueue_dma source(%dma_start3A_153 : memref<64x512xf32, #tpu.memory_space<hbm>>) target(%arg9 : memref<64x512xf32, #tpu.memory_space<vmem>>) target_semaphore(%arg13 : memref<!tpu.dma_semaphore, #tpu.memory_space<semaphore_mem>>)
        } else {
        }
      } else {
      }
      %mul3A_74 = arith.constant 2 : i32
      %mul3A_75 = arith.muli %scan3A_65, %mul3A_74 : i32
      %add3A_76 = arith.constant 1 : i32
      %add3A_77 = arith.addi %mul3A_75, %add3A_76 : i32
      %lt3A_78 = arith.cmpi slt, %add3A_77, %select_n3A_40 : i32
      %convert_element_type3A_79 = arith.extui %lt3A_78 : i1 to i32
      %cond3A_80 = arith.constant 0 : i32
      %cond3A_81 = arith.cmpi ne, %convert_element_type3A_79, %cond3A_80 : i32
      scf.if %cond3A_81 {
        %dma_wait3A = arith.constant 0 : i32
        %dma_wait3A_82 = arith.constant 0 : i32
        %dma_wait3A_83 = tpu.memref_slice %arg3[%dma_wait3A, %dma_wait3A_82] : memref<64x1000000xf32, #tpu.memory_space<hbm>> -> memref<64x512xf32, #tpu.memory_space<hbm>>
        %dma_wait3A_84 = arith.constant 0 : i32
        %dma_wait3A_85 = arith.constant 0 : i32
        %dma_wait3A_86 = tpu.memref_slice %arg3[%dma_wait3A_84, %dma_wait3A_85] : memref<64x1000000xf32, #tpu.memory_space<hbm>> -> memref<64x512xf32, #tpu.memory_space<hbm>>
        tpu.wait_dma2 semaphore(%arg14 : memref<!tpu.dma_semaphore, #tpu.memory_space<semaphore_mem>>) src(%dma_wait3A_86 : memref<64x512xf32, #tpu.memory_space<hbm>>) dst(%arg10 : memref<64x512xf32, #tpu.memory_space<vmem>>)
        %mul3A_87 = arith.constant 512 : i32
        %mul3A_88 = arith.muli %add3A_77, %mul3A_87 : i32
        %add3A_89 = arith.addi %mul3A_10, %mul3A_88 : i32
        %add3A_90 = arith.constant 16 : i32
        %add3A_91 = arith.addi %scan3A_50, %add3A_90 : i32
        %sub3A_92 = arith.constant 1 : i32
        %sub3A_93 = arith.subi %add3A_91, %sub3A_92 : i32
        %jit3A_94 = arith.constant 16 : i32
        %div3A_95 = arith.divsi %sub3A_93, %jit3A_94 : i32
        %sign3A_96 = arith.constant 0 : i32
        %sign3A_97 = arith.cmpi sgt, %sub3A_93, %sign3A_96 : i32
        %sign3A_98 = arith.extui %sign3A_97 : i1 to i32
        %sign3A_99 = arith.constant 0 : i32
        %sign3A_100 = arith.cmpi slt, %sub3A_93, %sign3A_99 : i32
        %sign3A_101 = arith.extui %sign3A_100 : i1 to i32
        %sign3A_102 = arith.subi %sign3A_98, %sign3A_101 : i32
        %sign3A_103 = arith.constant 0 : i32
        %sign3A_104 = arith.cmpi sgt, %jit3A_94, %sign3A_103 : i32
        %sign3A_105 = arith.extui %sign3A_104 : i1 to i32
        %sign3A_106 = arith.constant 0 : i32
        %sign3A_107 = arith.cmpi slt, %jit3A_94, %sign3A_106 : i32
        %sign3A_108 = arith.extui %sign3A_107 : i1 to i32
        %sign3A_109 = arith.subi %sign3A_105, %sign3A_108 : i32
        %ne3A_110 = arith.cmpi ne, %sign3A_102, %sign3A_109 : i32
        %rem3A_111 = arith.remsi %sub3A_93, %jit3A_94 : i32
        %ne3A_112 = arith.constant 0 : i32
        %ne3A_113 = arith.cmpi ne, %rem3A_111, %ne3A_112 : i32
        %and3A_114 = arith.andi %ne3A_110, %ne3A_113 : i1
        %sub3A_115 = arith.constant 1 : i32
        %sub3A_116 = arith.subi %div3A_95, %sub3A_115 : i32
        %select_n3A_117 = arith.select %and3A_114, %sub3A_116, %div3A_95 : i32
        %while3A = arith.constant 0 : i32
        %while3A_118 = arith.constant 0 : i32
        %while3A_119 = arith.subi %select_n3A_117, %while3A : i32
        %while3A_120 = arith.addi %while3A, %while3A_119 : i32
        %while3A_121 = arith.constant 1 : i32
        %while3A_122 = arith.divsi %while3A_119, %while3A_121 : i32
        %while3A_123 = arith.muli %while3A_122, %while3A_121 : i32
        %while3A_124 = arith.addi %while3A, %while3A_123 : i32
        %while3A_125 = arith.constant 1 : i32
        %while3A_126 = scf.for %while3A_145 = %while3A to %while3A_124 step %while3A_125 iter_args(%while3A_146 = %while3A_118) -> (i32)  : i32 {
          %mul3A_147 = arith.constant 16 : i32
          %mul3A_148 = arith.muli %while3A_145, %mul3A_147 : i32
          %add3A_149 = vector.broadcast %mul3A_148 : i32 to vector<16xi32>
          %add3A_150 = arith.addi %iota3A, %add3A_149 : vector<16xi32>
          %lt3A_151 = vector.broadcast %scan3A_50 : i32 to vector<16xi32>
          %lt3A_152 = arith.cmpi slt, %add3A_150, %lt3A_151 : vector<16xi32>
          %mul3A_153 = arith.constant 16 : i32
          %mul3A_154 = arith.muli %while3A_145, %mul3A_153 : i32
          %add3A_155 = vector.broadcast %mul3A_154 : i32 to vector<16xi32>
          %add3A_156 = arith.addi %iota3A, %add3A_155 : vector<16xi32>
          %gather3A = tpu.vector_load_idx %arg7[%add3A_156] masked %lt3A_152 : memref<16384xi32, #tpu.memory_space<vmem>>[vector<16xi32>], vector<16xi32>, vector<16xi1>
          %gather3A_157 = tpu.vector_load_idx %arg6[%gather3A] masked %lt3A_152 : memref<16384xi32, #tpu.memory_space<vmem>>[vector<16xi32>], vector<16xi32>, vector<16xi1>
          %ge3A = vector.broadcast %add3A_89 : i32 to vector<16xi32>
          %ge3A_158 = arith.cmpi sge, %gather3A_157, %ge3A : vector<16xi32>
          %and3A_159 = arith.andi %lt3A_152, %ge3A_158 : vector<16xi1>
          %add3A_160 = arith.constant 512 : i32
          %add3A_161 = arith.addi %add3A_89, %add3A_160 : i32
          %lt3A_162 = vector.broadcast %add3A_161 : i32 to vector<16xi32>
          %lt3A_163 = arith.cmpi slt, %gather3A_157, %lt3A_162 : vector<16xi32>
          %and3A_164 = arith.andi %and3A_159, %lt3A_163 : vector<16xi1>
          %swap3A = arith.index_cast %while3A_146 : i32 to index
          %swap3A_165 = tpu.vector_load %arg8[%swap3A] masked %and3A_164 {strides = array<i32>} : memref<16384xi32, #tpu.memory_space<vmem>>, vector<16xi32>, vector<16xi1>
          tpu.vector_store %arg8[%swap3A], %gather3A masked %and3A_164 {strides = array<i32>} : memref<16384xi32, #tpu.memory_space<vmem>>, vector<16xi32>, vector<16xi1>
          %all_reduce_population_count3A = tpu.all_reduce %and3A_164 {dim = 0 : i64, kind = #tpu.reduction_kind<sum>} : vector<16xi1> -> vector<16xi32>
          %reduce_max3A = arith.constant true
          %reduce_max3A_166 = vector.broadcast %reduce_max3A : i1 to vector<16xi1>
          %reduce_max3A_167 = arith.constant -2147483648 : i32
          %reduce_max3A_168 = vector.broadcast %reduce_max3A_167 : i32 to vector<16xi32>
          %reduce_max3A_169 = arith.xori %all_reduce_population_count3A, %reduce_max3A_168 : vector<16xi32>
          %reduce_max3A_170 = tpu.scan <max>, %reduce_max3A_169 masked %reduce_max3A_166 : vector<16xi32>, vector<16xi1> -> vector<16xi32>
          %reduce_max3A_171 = arith.xori %reduce_max3A_170, %reduce_max3A_168 : vector<16xi32>
          %reduce_max3A_172 = vector.extract %reduce_max3A_171[15] : i32 from vector<16xi32>
          %add3A_173 = arith.addi %while3A_146, %reduce_max3A_172 : i32
          scf.yield %add3A_173 : i32
        }
        %while3A_127 = arith.constant 1 : i32
        %while3A_128 = scf.for %while3A_145 = %while3A_124 to %while3A_120 step %while3A_127 iter_args(%while3A_146 = %while3A_126) -> (i32)  : i32 {
          %mul3A_147 = arith.constant 16 : i32
          %mul3A_148 = arith.muli %while3A_145, %mul3A_147 : i32
          %add3A_149 = vector.broadcast %mul3A_148 : i32 to vector<16xi32>
          %add3A_150 = arith.addi %iota3A, %add3A_149 : vector<16xi32>
          %lt3A_151 = vector.broadcast %scan3A_50 : i32 to vector<16xi32>
          %lt3A_152 = arith.cmpi slt, %add3A_150, %lt3A_151 : vector<16xi32>
          %mul3A_153 = arith.constant 16 : i32
          %mul3A_154 = arith.muli %while3A_145, %mul3A_153 : i32
          %add3A_155 = vector.broadcast %mul3A_154 : i32 to vector<16xi32>
          %add3A_156 = arith.addi %iota3A, %add3A_155 : vector<16xi32>
          %gather3A = tpu.vector_load_idx %arg7[%add3A_156] masked %lt3A_152 : memref<16384xi32, #tpu.memory_space<vmem>>[vector<16xi32>], vector<16xi32>, vector<16xi1>
          %gather3A_157 = tpu.vector_load_idx %arg6[%gather3A] masked %lt3A_152 : memref<16384xi32, #tpu.memory_space<vmem>>[vector<16xi32>], vector<16xi32>, vector<16xi1>
          %ge3A = vector.broadcast %add3A_89 : i32 to vector<16xi32>
          %ge3A_158 = arith.cmpi sge, %gather3A_157, %ge3A : vector<16xi32>
          %and3A_159 = arith.andi %lt3A_152, %ge3A_158 : vector<16xi1>
          %add3A_160 = arith.constant 512 : i32
          %add3A_161 = arith.addi %add3A_89, %add3A_160 : i32
          %lt3A_162 = vector.broadcast %add3A_161 : i32 to vector<16xi32>
          %lt3A_163 = arith.cmpi slt, %gather3A_157, %lt3A_162 : vector<16xi32>
          %and3A_164 = arith.andi %and3A_159, %lt3A_163 : vector<16xi1>
          %swap3A = arith.index_cast %while3A_146 : i32 to index
          %swap3A_165 = tpu.vector_load %arg8[%swap3A] masked %and3A_164 {strides = array<i32>} : memref<16384xi32, #tpu.memory_space<vmem>>, vector<16xi32>, vector<16xi1>
          tpu.vector_store %arg8[%swap3A], %gather3A masked %and3A_164 {strides = array<i32>} : memref<16384xi32, #tpu.memory_space<vmem>>, vector<16xi32>, vector<16xi1>
          %all_reduce_population_count3A = tpu.all_reduce %and3A_164 {dim = 0 : i64, kind = #tpu.reduction_kind<sum>} : vector<16xi1> -> vector<16xi32>
          %reduce_max3A = arith.constant true
          %reduce_max3A_166 = vector.broadcast %reduce_max3A : i1 to vector<16xi1>
          %reduce_max3A_167 = arith.constant -2147483648 : i32
          %reduce_max3A_168 = vector.broadcast %reduce_max3A_167 : i32 to vector<16xi32>
          %reduce_max3A_169 = arith.xori %all_reduce_population_count3A, %reduce_max3A_168 : vector<16xi32>
          %reduce_max3A_170 = tpu.scan <max>, %reduce_max3A_169 masked %reduce_max3A_166 : vector<16xi32>, vector<16xi1> -> vector<16xi32>
          %reduce_max3A_171 = arith.xori %reduce_max3A_170, %reduce_max3A_168 : vector<16xi32>
          %reduce_max3A_172 = vector.extract %reduce_max3A_171[15] : i32 from vector<16xi32>
          %add3A_173 = arith.addi %while3A_146, %reduce_max3A_172 : i32
          scf.yield %add3A_173 : i32
        }
        %while3A_129 = arith.constant 0 : i32
        %while3A_130 = arith.constant 0 : i32
        %while3A_131 = arith.subi %while3A_128, %while3A_130 : i32
        %while3A_132 = arith.addi %while3A_130, %while3A_131 : i32
        %while3A_133 = arith.constant 1 : i32
        %while3A_134 = arith.divsi %while3A_131, %while3A_133 : i32
        %while3A_135 = arith.muli %while3A_134, %while3A_133 : i32
        %while3A_136 = arith.addi %while3A_130, %while3A_135 : i32
        %while3A_137 = arith.constant 1 : i32
        scf.for %while3A_145 = %while3A_130 to %while3A_136 step %while3A_137  : i32 {
          %broadcast_in_dim3A = vector.broadcast %while3A_145 : i32 to vector<16xi32>
          %gather3A = tpu.vector_load_idx %arg8[%broadcast_in_dim3A] : memref<16384xi32, #tpu.memory_space<vmem>>[vector<16xi32>], vector<16xi32>,
          %gather3A_146 = tpu.vector_load_idx %arg6[%gather3A] : memref<16384xi32, #tpu.memory_space<vmem>>[vector<16xi32>], vector<16xi32>,
          %sub3A_147 = vector.broadcast %add3A_89 : i32 to vector<16xi32>
          %sub3A_148 = arith.subi %gather3A_146, %sub3A_147 : vector<16xi32>
          %add3A_149 = arith.constant 0 : i32
          %add3A_150 = vector.broadcast %add3A_149 : i32 to vector<16xi32>
          %add3A_151 = arith.addi %iota3A, %add3A_150 : vector<16xi32>
          %gather3A_152 = tpu.vector_load_idx %arg10[%add3A_151, %sub3A_148] : memref<64x512xf32, #tpu.memory_space<vmem>>[vector<16xi32>, vector<16xi32>], vector<16xf32>,
          %swap3A = arith.constant 0 : index
          %swap3A_153 = tpu.vector_load %arg11[%swap3A] {strides = array<i32>} : memref<64xf32, #tpu.memory_space<vmem>>, vector<16xf32>,
          tpu.vector_store %arg11[%swap3A], %gather3A_152 {strides = array<i32>} : memref<64xf32, #tpu.memory_space<vmem>>, vector<16xf32>,
          %add3A_154 = arith.constant 16 : i32
          %add3A_155 = vector.broadcast %add3A_154 : i32 to vector<16xi32>
          %add3A_156 = arith.addi %iota3A, %add3A_155 : vector<16xi32>
          %gather3A_157 = tpu.vector_load_idx %arg10[%add3A_156, %sub3A_148] : memref<64x512xf32, #tpu.memory_space<vmem>>[vector<16xi32>, vector<16xi32>], vector<16xf32>,
          %swap3A_158 = arith.constant 16 : index
          %swap3A_159 = tpu.vector_load %arg11[%swap3A_158] {strides = array<i32>} : memref<64xf32, #tpu.memory_space<vmem>>, vector<16xf32>,
          tpu.vector_store %arg11[%swap3A_158], %gather3A_157 {strides = array<i32>} : memref<64xf32, #tpu.memory_space<vmem>>, vector<16xf32>,
          %add3A_160 = arith.constant 32 : i32
          %add3A_161 = vector.broadcast %add3A_160 : i32 to vector<16xi32>
          %add3A_162 = arith.addi %iota3A, %add3A_161 : vector<16xi32>
          %gather3A_163 = tpu.vector_load_idx %arg10[%add3A_162, %sub3A_148] : memref<64x512xf32, #tpu.memory_space<vmem>>[vector<16xi32>, vector<16xi32>], vector<16xf32>,
          %swap3A_164 = arith.constant 32 : index
          %swap3A_165 = tpu.vector_load %arg11[%swap3A_164] {strides = array<i32>} : memref<64xf32, #tpu.memory_space<vmem>>, vector<16xf32>,
          tpu.vector_store %arg11[%swap3A_164], %gather3A_163 {strides = array<i32>} : memref<64xf32, #tpu.memory_space<vmem>>, vector<16xf32>,
          %add3A_166 = arith.constant 48 : i32
          %add3A_167 = vector.broadcast %add3A_166 : i32 to vector<16xi32>
          %add3A_168 = arith.addi %iota3A, %add3A_167 : vector<16xi32>
          %gather3A_169 = tpu.vector_load_idx %arg10[%add3A_168, %sub3A_148] : memref<64x512xf32, #tpu.memory_space<vmem>>[vector<16xi32>, vector<16xi32>], vector<16xf32>,
          %swap3A_170 = arith.constant 48 : index
          %swap3A_171 = tpu.vector_load %arg11[%swap3A_170] {strides = array<i32>} : memref<64xf32, #tpu.memory_space<vmem>>, vector<16xf32>,
          tpu.vector_store %arg11[%swap3A_170], %gather3A_169 {strides = array<i32>} : memref<64xf32, #tpu.memory_space<vmem>>, vector<16xf32>,
          %reduce_max3A = arith.constant true
          %reduce_max3A_172 = vector.broadcast %reduce_max3A : i1 to vector<16xi1>
          %reduce_max3A_173 = arith.constant -2147483648 : i32
          %reduce_max3A_174 = vector.broadcast %reduce_max3A_173 : i32 to vector<16xi32>
          %reduce_max3A_175 = arith.xori %gather3A, %reduce_max3A_174 : vector<16xi32>
          %reduce_max3A_176 = tpu.scan <max>, %reduce_max3A_175 masked %reduce_max3A_172 : vector<16xi32>, vector<16xi1> -> vector<16xi32>
          %reduce_max3A_177 = arith.xori %reduce_max3A_176, %reduce_max3A_174 : vector<16xi32>
          %reduce_max3A_178 = vector.extract %reduce_max3A_177[15] : i32 from vector<16xi32>
          %mul3A_179 = arith.constant 64 : i32
          %mul3A_180 = arith.muli %reduce_max3A_178, %mul3A_179 : i32
          "tpu.region"() ({
            %run_scoped3A = tpu.sem_alloc : memref<!tpu.dma_semaphore, #tpu.memory_space<semaphore_mem>>
            %dma_start3A_181 = tpu.memref_slice %arg5[%mul3A_180] : memref<1048576xf32, #tpu.memory_space<hbm>> -> memref<64xf32, #tpu.memory_space<hbm>>
            %dma_start3A_182 = tpu.memref_slice %arg5[%mul3A_180] : memref<1048576xf32, #tpu.memory_space<hbm>> -> memref<64xf32, #tpu.memory_space<hbm>>
            tpu.enqueue_dma source(%arg11 : memref<64xf32, #tpu.memory_space<vmem>>) target(%dma_start3A_182 : memref<64xf32, #tpu.memory_space<hbm>>) target_semaphore(%run_scoped3A : memref<!tpu.dma_semaphore, #tpu.memory_space<semaphore_mem>>)
            %dma_wait3A_183 = tpu.memref_slice %arg5[%mul3A_180] : memref<1048576xf32, #tpu.memory_space<hbm>> -> memref<64xf32, #tpu.memory_space<hbm>>
            %dma_wait3A_184 = tpu.memref_slice %arg5[%mul3A_180] : memref<1048576xf32, #tpu.memory_space<hbm>> -> memref<64xf32, #tpu.memory_space<hbm>>
            tpu.wait_dma2 semaphore(%run_scoped3A : memref<!tpu.dma_semaphore, #tpu.memory_space<semaphore_mem>>) src(%arg11 : memref<64xf32, #tpu.memory_space<vmem>>) dst(%dma_wait3A_184 : memref<64xf32, #tpu.memory_space<hbm>>)
            tpu.yield
          }) : () -> ()
        }
        %while3A_138 = arith.constant 1 : i32
        scf.for %while3A_145 = %while3A_136 to %while3A_132 step %while3A_138  : i32 {
          %broadcast_in_dim3A = vector.broadcast %while3A_145 : i32 to vector<16xi32>
          %gather3A = tpu.vector_load_idx %arg8[%broadcast_in_dim3A] : memref<16384xi32, #tpu.memory_space<vmem>>[vector<16xi32>], vector<16xi32>,
          %gather3A_146 = tpu.vector_load_idx %arg6[%gather3A] : memref<16384xi32, #tpu.memory_space<vmem>>[vector<16xi32>], vector<16xi32>,
          %sub3A_147 = vector.broadcast %add3A_89 : i32 to vector<16xi32>
          %sub3A_148 = arith.subi %gather3A_146, %sub3A_147 : vector<16xi32>
          %add3A_149 = arith.constant 0 : i32
          %add3A_150 = vector.broadcast %add3A_149 : i32 to vector<16xi32>
          %add3A_151 = arith.addi %iota3A, %add3A_150 : vector<16xi32>
          %gather3A_152 = tpu.vector_load_idx %arg10[%add3A_151, %sub3A_148] : memref<64x512xf32, #tpu.memory_space<vmem>>[vector<16xi32>, vector<16xi32>], vector<16xf32>,
          %swap3A = arith.constant 0 : index
          %swap3A_153 = tpu.vector_load %arg11[%swap3A] {strides = array<i32>} : memref<64xf32, #tpu.memory_space<vmem>>, vector<16xf32>,
          tpu.vector_store %arg11[%swap3A], %gather3A_152 {strides = array<i32>} : memref<64xf32, #tpu.memory_space<vmem>>, vector<16xf32>,
          %add3A_154 = arith.constant 16 : i32
          %add3A_155 = vector.broadcast %add3A_154 : i32 to vector<16xi32>
          %add3A_156 = arith.addi %iota3A, %add3A_155 : vector<16xi32>
          %gather3A_157 = tpu.vector_load_idx %arg10[%add3A_156, %sub3A_148] : memref<64x512xf32, #tpu.memory_space<vmem>>[vector<16xi32>, vector<16xi32>], vector<16xf32>,
          %swap3A_158 = arith.constant 16 : index
          %swap3A_159 = tpu.vector_load %arg11[%swap3A_158] {strides = array<i32>} : memref<64xf32, #tpu.memory_space<vmem>>, vector<16xf32>,
          tpu.vector_store %arg11[%swap3A_158], %gather3A_157 {strides = array<i32>} : memref<64xf32, #tpu.memory_space<vmem>>, vector<16xf32>,
          %add3A_160 = arith.constant 32 : i32
          %add3A_161 = vector.broadcast %add3A_160 : i32 to vector<16xi32>
          %add3A_162 = arith.addi %iota3A, %add3A_161 : vector<16xi32>
          %gather3A_163 = tpu.vector_load_idx %arg10[%add3A_162, %sub3A_148] : memref<64x512xf32, #tpu.memory_space<vmem>>[vector<16xi32>, vector<16xi32>], vector<16xf32>,
          %swap3A_164 = arith.constant 32 : index
          %swap3A_165 = tpu.vector_load %arg11[%swap3A_164] {strides = array<i32>} : memref<64xf32, #tpu.memory_space<vmem>>, vector<16xf32>,
          tpu.vector_store %arg11[%swap3A_164], %gather3A_163 {strides = array<i32>} : memref<64xf32, #tpu.memory_space<vmem>>, vector<16xf32>,
          %add3A_166 = arith.constant 48 : i32
          %add3A_167 = vector.broadcast %add3A_166 : i32 to vector<16xi32>
          %add3A_168 = arith.addi %iota3A, %add3A_167 : vector<16xi32>
          %gather3A_169 = tpu.vector_load_idx %arg10[%add3A_168, %sub3A_148] : memref<64x512xf32, #tpu.memory_space<vmem>>[vector<16xi32>, vector<16xi32>], vector<16xf32>,
          %swap3A_170 = arith.constant 48 : index
          %swap3A_171 = tpu.vector_load %arg11[%swap3A_170] {strides = array<i32>} : memref<64xf32, #tpu.memory_space<vmem>>, vector<16xf32>,
          tpu.vector_store %arg11[%swap3A_170], %gather3A_169 {strides = array<i32>} : memref<64xf32, #tpu.memory_space<vmem>>, vector<16xf32>,
          %reduce_max3A = arith.constant true
          %reduce_max3A_172 = vector.broadcast %reduce_max3A : i1 to vector<16xi1>
          %reduce_max3A_173 = arith.constant -2147483648 : i32
          %reduce_max3A_174 = vector.broadcast %reduce_max3A_173 : i32 to vector<16xi32>
          %reduce_max3A_175 = arith.xori %gather3A, %reduce_max3A_174 : vector<16xi32>
          %reduce_max3A_176 = tpu.scan <max>, %reduce_max3A_175 masked %reduce_max3A_172 : vector<16xi32>, vector<16xi1> -> vector<16xi32>
          %reduce_max3A_177 = arith.xori %reduce_max3A_176, %reduce_max3A_174 : vector<16xi32>
          %reduce_max3A_178 = vector.extract %reduce_max3A_177[15] : i32 from vector<16xi32>
          %mul3A_179 = arith.constant 64 : i32
          %mul3A_180 = arith.muli %reduce_max3A_178, %mul3A_179 : i32
          "tpu.region"() ({
            %run_scoped3A = tpu.sem_alloc : memref<!tpu.dma_semaphore, #tpu.memory_space<semaphore_mem>>
            %dma_start3A_181 = tpu.memref_slice %arg5[%mul3A_180] : memref<1048576xf32, #tpu.memory_space<hbm>> -> memref<64xf32, #tpu.memory_space<hbm>>
            %dma_start3A_182 = tpu.memref_slice %arg5[%mul3A_180] : memref<1048576xf32, #tpu.memory_space<hbm>> -> memref<64xf32, #tpu.memory_space<hbm>>
            tpu.enqueue_dma source(%arg11 : memref<64xf32, #tpu.memory_space<vmem>>) target(%dma_start3A_182 : memref<64xf32, #tpu.memory_space<hbm>>) target_semaphore(%run_scoped3A : memref<!tpu.dma_semaphore, #tpu.memory_space<semaphore_mem>>)
            %dma_wait3A_183 = tpu.memref_slice %arg5[%mul3A_180] : memref<1048576xf32, #tpu.memory_space<hbm>> -> memref<64xf32, #tpu.memory_space<hbm>>
            %dma_wait3A_184 = tpu.memref_slice %arg5[%mul3A_180] : memref<1048576xf32, #tpu.memory_space<hbm>> -> memref<64xf32, #tpu.memory_space<hbm>>
            tpu.wait_dma2 semaphore(%run_scoped3A : memref<!tpu.dma_semaphore, #tpu.memory_space<semaphore_mem>>) src(%arg11 : memref<64xf32, #tpu.memory_space<vmem>>) dst(%dma_wait3A_184 : memref<64xf32, #tpu.memory_space<hbm>>)
            tpu.yield
          }) : () -> ()
        }
        %add3A_139 = arith.constant 2 : i32
        %add3A_140 = arith.addi %add3A_77, %add3A_139 : i32
        %lt3A_141 = arith.cmpi slt, %add3A_140, %select_n3A_40 : i32
        %convert_element_type3A_142 = arith.extui %lt3A_141 : i1 to i32
        %cond3A_143 = arith.constant 0 : i32
        %cond3A_144 = arith.cmpi ne, %convert_element_type3A_142, %cond3A_143 : i32
        scf.if %cond3A_144 {
          %add3A_145 = arith.constant 2 : i32
          %add3A_146 = arith.addi %add3A_77, %add3A_145 : i32
          %mul3A_147 = arith.constant 512 : i32
          %mul3A_148 = arith.muli %add3A_146, %mul3A_147 : i32
          %add3A_149 = arith.addi %mul3A_10, %mul3A_148 : i32
          %dma_start3A_150 = arith.constant 0 : i32
          %dma_start3A_151 = tpu.memref_slice %arg3[%dma_start3A_150, %add3A_149] : memref<64x1000000xf32, #tpu.memory_space<hbm>> -> memref<64x512xf32, #tpu.memory_space<hbm>>
          %dma_start3A_152 = arith.constant 0 : i32
          %dma_start3A_153 = tpu.memref_slice %arg3[%dma_start3A_152, %add3A_149] : memref<64x1000000xf32, #tpu.memory_space<hbm>> -> memref<64x512xf32, #tpu.memory_space<hbm>>
          tpu.enqueue_dma source(%dma_start3A_153 : memref<64x512xf32, #tpu.memory_space<hbm>>) target(%arg10 : memref<64x512xf32, #tpu.memory_space<vmem>>) target_semaphore(%arg14 : memref<!tpu.dma_semaphore, #tpu.memory_space<semaphore_mem>>)
        } else {
        }
      } else {
      }
    }
    %scan3A_59 = arith.constant 32 : i32
    %eq3A_60 = arith.constant 31 : i32
    %eq3A_61 = arith.cmpi eq, %add3A, %eq3A_60 : i32
    %convert_element_type3A_62 = arith.extui %eq3A_61 : i1 to i32
    %cond3A_63 = arith.constant 0 : i32
    %cond3A_64 = arith.cmpi ne, %convert_element_type3A_62, %cond3A_63 : i32
    scf.if %cond3A_64 {
      "tpu.region"() ({
        %run_scoped3A = tpu.sem_alloc : memref<!tpu.dma_semaphore, #tpu.memory_space<semaphore_mem>>
        tpu.enqueue_dma source(%arg4 : memref<64x64xf32, #tpu.memory_space<hbm>>) target(%arg12 : memref<64x64xf32, #tpu.memory_space<vmem>>) target_semaphore(%run_scoped3A : memref<!tpu.dma_semaphore, #tpu.memory_space<semaphore_mem>>)
        tpu.wait_dma2 semaphore(%run_scoped3A : memref<!tpu.dma_semaphore, #tpu.memory_space<semaphore_mem>>) src(%arg4 : memref<64x64xf32, #tpu.memory_space<hbm>>) dst(%arg12 : memref<64x64xf32, #tpu.memory_space<vmem>>)
        tpu.yield
      }) : () -> ()
      %add3A_65 = arith.constant 16 : i32
      %add3A_66 = arith.addi %scan3A_50, %add3A_65 : i32
      %sub3A_67 = arith.constant 1 : i32
      %sub3A_68 = arith.subi %add3A_66, %sub3A_67 : i32
      %jit3A_69 = arith.constant 16 : i32
      %div3A_70 = arith.divsi %sub3A_68, %jit3A_69 : i32
      %sign3A_71 = arith.constant 0 : i32
      %sign3A_72 = arith.cmpi sgt, %sub3A_68, %sign3A_71 : i32
      %sign3A_73 = arith.extui %sign3A_72 : i1 to i32
      %sign3A_74 = arith.constant 0 : i32
      %sign3A_75 = arith.cmpi slt, %sub3A_68, %sign3A_74 : i32
      %sign3A_76 = arith.extui %sign3A_75 : i1 to i32
      %sign3A_77 = arith.subi %sign3A_73, %sign3A_76 : i32
      %sign3A_78 = arith.constant 0 : i32
      %sign3A_79 = arith.cmpi sgt, %jit3A_69, %sign3A_78 : i32
      %sign3A_80 = arith.extui %sign3A_79 : i1 to i32
      %sign3A_81 = arith.constant 0 : i32
      %sign3A_82 = arith.cmpi slt, %jit3A_69, %sign3A_81 : i32
      %sign3A_83 = arith.extui %sign3A_82 : i1 to i32
      %sign3A_84 = arith.subi %sign3A_80, %sign3A_83 : i32
      %ne3A_85 = arith.cmpi ne, %sign3A_77, %sign3A_84 : i32
      %rem3A_86 = arith.remsi %sub3A_68, %jit3A_69 : i32
      %ne3A_87 = arith.constant 0 : i32
      %ne3A_88 = arith.cmpi ne, %rem3A_86, %ne3A_87 : i32
      %and3A_89 = arith.andi %ne3A_85, %ne3A_88 : i1
      %sub3A_90 = arith.constant 1 : i32
      %sub3A_91 = arith.subi %div3A_70, %sub3A_90 : i32
      %select_n3A_92 = arith.select %and3A_89, %sub3A_91, %div3A_70 : i32
      %while3A = arith.constant 0 : i32
      %while3A_93 = arith.constant 0 : i32
      %while3A_94 = arith.subi %select_n3A_92, %while3A : i32
      %while3A_95 = arith.addi %while3A, %while3A_94 : i32
      %while3A_96 = arith.constant 1 : i32
      %while3A_97 = arith.divsi %while3A_94, %while3A_96 : i32
      %while3A_98 = arith.muli %while3A_97, %while3A_96 : i32
      %while3A_99 = arith.addi %while3A, %while3A_98 : i32
      %while3A_100 = arith.constant 1 : i32
      %while3A_101 = scf.for %while3A_114 = %while3A to %while3A_99 step %while3A_100 iter_args(%while3A_115 = %while3A_93) -> (i32)  : i32 {
        %mul3A_116 = arith.constant 16 : i32
        %mul3A_117 = arith.muli %while3A_114, %mul3A_116 : i32
        %add3A_118 = vector.broadcast %mul3A_117 : i32 to vector<16xi32>
        %add3A_119 = arith.addi %iota3A, %add3A_118 : vector<16xi32>
        %lt3A_120 = vector.broadcast %scan3A_50 : i32 to vector<16xi32>
        %lt3A_121 = arith.cmpi slt, %add3A_119, %lt3A_120 : vector<16xi32>
        %mul3A_122 = arith.constant 16 : i32
        %mul3A_123 = arith.muli %while3A_114, %mul3A_122 : i32
        %add3A_124 = vector.broadcast %mul3A_123 : i32 to vector<16xi32>
        %add3A_125 = arith.addi %iota3A, %add3A_124 : vector<16xi32>
        %gather3A = tpu.vector_load_idx %arg7[%add3A_125] masked %lt3A_121 : memref<16384xi32, #tpu.memory_space<vmem>>[vector<16xi32>], vector<16xi32>, vector<16xi1>
        %gather3A_126 = tpu.vector_load_idx %arg6[%gather3A] masked %lt3A_121 : memref<16384xi32, #tpu.memory_space<vmem>>[vector<16xi32>], vector<16xi32>, vector<16xi1>
        %ge3A = arith.constant 999936 : i32
        %ge3A_127 = vector.broadcast %ge3A : i32 to vector<16xi32>
        %ge3A_128 = arith.cmpi sge, %gather3A_126, %ge3A_127 : vector<16xi32>
        %and3A_129 = arith.andi %lt3A_121, %ge3A_128 : vector<16xi1>
        %swap3A = arith.index_cast %while3A_115 : i32 to index
        %swap3A_130 = tpu.vector_load %arg8[%swap3A] masked %and3A_129 {strides = array<i32>} : memref<16384xi32, #tpu.memory_space<vmem>>, vector<16xi32>, vector<16xi1>
        tpu.vector_store %arg8[%swap3A], %gather3A masked %and3A_129 {strides = array<i32>} : memref<16384xi32, #tpu.memory_space<vmem>>, vector<16xi32>, vector<16xi1>
        %all_reduce_population_count3A = tpu.all_reduce %and3A_129 {dim = 0 : i64, kind = #tpu.reduction_kind<sum>} : vector<16xi1> -> vector<16xi32>
        %reduce_max3A = arith.constant true
        %reduce_max3A_131 = vector.broadcast %reduce_max3A : i1 to vector<16xi1>
        %reduce_max3A_132 = arith.constant -2147483648 : i32
        %reduce_max3A_133 = vector.broadcast %reduce_max3A_132 : i32 to vector<16xi32>
        %reduce_max3A_134 = arith.xori %all_reduce_population_count3A, %reduce_max3A_133 : vector<16xi32>
        %reduce_max3A_135 = tpu.scan <max>, %reduce_max3A_134 masked %reduce_max3A_131 : vector<16xi32>, vector<16xi1> -> vector<16xi32>
        %reduce_max3A_136 = arith.xori %reduce_max3A_135, %reduce_max3A_133 : vector<16xi32>
        %reduce_max3A_137 = vector.extract %reduce_max3A_136[15] : i32 from vector<16xi32>
        %add3A_138 = arith.addi %while3A_115, %reduce_max3A_137 : i32
        scf.yield %add3A_138 : i32
      }
      %while3A_102 = arith.constant 1 : i32
      %while3A_103 = scf.for %while3A_114 = %while3A_99 to %while3A_95 step %while3A_102 iter_args(%while3A_115 = %while3A_101) -> (i32)  : i32 {
        %mul3A_116 = arith.constant 16 : i32
        %mul3A_117 = arith.muli %while3A_114, %mul3A_116 : i32
        %add3A_118 = vector.broadcast %mul3A_117 : i32 to vector<16xi32>
        %add3A_119 = arith.addi %iota3A, %add3A_118 : vector<16xi32>
        %lt3A_120 = vector.broadcast %scan3A_50 : i32 to vector<16xi32>
        %lt3A_121 = arith.cmpi slt, %add3A_119, %lt3A_120 : vector<16xi32>
        %mul3A_122 = arith.constant 16 : i32
        %mul3A_123 = arith.muli %while3A_114, %mul3A_122 : i32
        %add3A_124 = vector.broadcast %mul3A_123 : i32 to vector<16xi32>
        %add3A_125 = arith.addi %iota3A, %add3A_124 : vector<16xi32>
        %gather3A = tpu.vector_load_idx %arg7[%add3A_125] masked %lt3A_121 : memref<16384xi32, #tpu.memory_space<vmem>>[vector<16xi32>], vector<16xi32>, vector<16xi1>
        %gather3A_126 = tpu.vector_load_idx %arg6[%gather3A] masked %lt3A_121 : memref<16384xi32, #tpu.memory_space<vmem>>[vector<16xi32>], vector<16xi32>, vector<16xi1>
        %ge3A = arith.constant 999936 : i32
        %ge3A_127 = vector.broadcast %ge3A : i32 to vector<16xi32>
        %ge3A_128 = arith.cmpi sge, %gather3A_126, %ge3A_127 : vector<16xi32>
        %and3A_129 = arith.andi %lt3A_121, %ge3A_128 : vector<16xi1>
        %swap3A = arith.index_cast %while3A_115 : i32 to index
        %swap3A_130 = tpu.vector_load %arg8[%swap3A] masked %and3A_129 {strides = array<i32>} : memref<16384xi32, #tpu.memory_space<vmem>>, vector<16xi32>, vector<16xi1>
        tpu.vector_store %arg8[%swap3A], %gather3A masked %and3A_129 {strides = array<i32>} : memref<16384xi32, #tpu.memory_space<vmem>>, vector<16xi32>, vector<16xi1>
        %all_reduce_population_count3A = tpu.all_reduce %and3A_129 {dim = 0 : i64, kind = #tpu.reduction_kind<sum>} : vector<16xi1> -> vector<16xi32>
        %reduce_max3A = arith.constant true
        %reduce_max3A_131 = vector.broadcast %reduce_max3A : i1 to vector<16xi1>
        %reduce_max3A_132 = arith.constant -2147483648 : i32
        %reduce_max3A_133 = vector.broadcast %reduce_max3A_132 : i32 to vector<16xi32>
        %reduce_max3A_134 = arith.xori %all_reduce_population_count3A, %reduce_max3A_133 : vector<16xi32>
        %reduce_max3A_135 = tpu.scan <max>, %reduce_max3A_134 masked %reduce_max3A_131 : vector<16xi32>, vector<16xi1> -> vector<16xi32>
        %reduce_max3A_136 = arith.xori %reduce_max3A_135, %reduce_max3A_133 : vector<16xi32>
        %reduce_max3A_137 = vector.extract %reduce_max3A_136[15] : i32 from vector<16xi32>
        %add3A_138 = arith.addi %while3A_115, %reduce_max3A_137 : i32
        scf.yield %add3A_138 : i32
      }
      %while3A_104 = arith.constant 0 : i32
      %while3A_105 = arith.constant 0 : i32
      %while3A_106 = arith.subi %while3A_103, %while3A_105 : i32
      %while3A_107 = arith.addi %while3A_105, %while3A_106 : i32
      %while3A_108 = arith.constant 1 : i32
      %while3A_109 = arith.divsi %while3A_106, %while3A_108 : i32
      %while3A_110 = arith.muli %while3A_109, %while3A_108 : i32
      %while3A_111 = arith.addi %while3A_105, %while3A_110 : i32
      %while3A_112 = arith.constant 1 : i32
      scf.for %while3A_114 = %while3A_105 to %while3A_111 step %while3A_112  : i32 {
        %broadcast_in_dim3A = vector.broadcast %while3A_114 : i32 to vector<16xi32>
        %gather3A = tpu.vector_load_idx %arg8[%broadcast_in_dim3A] : memref<16384xi32, #tpu.memory_space<vmem>>[vector<16xi32>], vector<16xi32>,
        %gather3A_115 = tpu.vector_load_idx %arg6[%gather3A] : memref<16384xi32, #tpu.memory_space<vmem>>[vector<16xi32>], vector<16xi32>,
        %sub3A_116 = arith.constant 999936 : i32
        %sub3A_117 = vector.broadcast %sub3A_116 : i32 to vector<16xi32>
        %sub3A_118 = arith.subi %gather3A_115, %sub3A_117 : vector<16xi32>
        %add3A_119 = arith.constant 0 : i32
        %add3A_120 = vector.broadcast %add3A_119 : i32 to vector<16xi32>
        %add3A_121 = arith.addi %iota3A, %add3A_120 : vector<16xi32>
        %gather3A_122 = tpu.vector_load_idx %arg12[%sub3A_118, %add3A_121] : memref<64x64xf32, #tpu.memory_space<vmem>>[vector<16xi32>, vector<16xi32>], vector<16xf32>,
        %swap3A = arith.constant 0 : index
        %swap3A_123 = tpu.vector_load %arg11[%swap3A] {strides = array<i32>} : memref<64xf32, #tpu.memory_space<vmem>>, vector<16xf32>,
        tpu.vector_store %arg11[%swap3A], %gather3A_122 {strides = array<i32>} : memref<64xf32, #tpu.memory_space<vmem>>, vector<16xf32>,
        %add3A_124 = arith.constant 16 : i32
        %add3A_125 = vector.broadcast %add3A_124 : i32 to vector<16xi32>
        %add3A_126 = arith.addi %iota3A, %add3A_125 : vector<16xi32>
        %gather3A_127 = tpu.vector_load_idx %arg12[%sub3A_118, %add3A_126] : memref<64x64xf32, #tpu.memory_space<vmem>>[vector<16xi32>, vector<16xi32>], vector<16xf32>,
        %swap3A_128 = arith.constant 16 : index
        %swap3A_129 = tpu.vector_load %arg11[%swap3A_128] {strides = array<i32>} : memref<64xf32, #tpu.memory_space<vmem>>, vector<16xf32>,
        tpu.vector_store %arg11[%swap3A_128], %gather3A_127 {strides = array<i32>} : memref<64xf32, #tpu.memory_space<vmem>>, vector<16xf32>,
        %add3A_130 = arith.constant 32 : i32
        %add3A_131 = vector.broadcast %add3A_130 : i32 to vector<16xi32>
        %add3A_132 = arith.addi %iota3A, %add3A_131 : vector<16xi32>
        %gather3A_133 = tpu.vector_load_idx %arg12[%sub3A_118, %add3A_132] : memref<64x64xf32, #tpu.memory_space<vmem>>[vector<16xi32>, vector<16xi32>], vector<16xf32>,
        %swap3A_134 = arith.constant 32 : index
        %swap3A_135 = tpu.vector_load %arg11[%swap3A_134] {strides = array<i32>} : memref<64xf32, #tpu.memory_space<vmem>>, vector<16xf32>,
        tpu.vector_store %arg11[%swap3A_134], %gather3A_133 {strides = array<i32>} : memref<64xf32, #tpu.memory_space<vmem>>, vector<16xf32>,
        %add3A_136 = arith.constant 48 : i32
        %add3A_137 = vector.broadcast %add3A_136 : i32 to vector<16xi32>
        %add3A_138 = arith.addi %iota3A, %add3A_137 : vector<16xi32>
        %gather3A_139 = tpu.vector_load_idx %arg12[%sub3A_118, %add3A_138] : memref<64x64xf32, #tpu.memory_space<vmem>>[vector<16xi32>, vector<16xi32>], vector<16xf32>,
        %swap3A_140 = arith.constant 48 : index
        %swap3A_141 = tpu.vector_load %arg11[%swap3A_140] {strides = array<i32>} : memref<64xf32, #tpu.memory_space<vmem>>, vector<16xf32>,
        tpu.vector_store %arg11[%swap3A_140], %gather3A_139 {strides = array<i32>} : memref<64xf32, #tpu.memory_space<vmem>>, vector<16xf32>,
        %reduce_max3A = arith.constant true
        %reduce_max3A_142 = vector.broadcast %reduce_max3A : i1 to vector<16xi1>
        %reduce_max3A_143 = arith.constant -2147483648 : i32
        %reduce_max3A_144 = vector.broadcast %reduce_max3A_143 : i32 to vector<16xi32>
        %reduce_max3A_145 = arith.xori %gather3A, %reduce_max3A_144 : vector<16xi32>
        %reduce_max3A_146 = tpu.scan <max>, %reduce_max3A_145 masked %reduce_max3A_142 : vector<16xi32>, vector<16xi1> -> vector<16xi32>
        %reduce_max3A_147 = arith.xori %reduce_max3A_146, %reduce_max3A_144 : vector<16xi32>
        %reduce_max3A_148 = vector.extract %reduce_max3A_147[15] : i32 from vector<16xi32>
        %mul3A_149 = arith.constant 64 : i32
        %mul3A_150 = arith.muli %reduce_max3A_148, %mul3A_149 : i32
        "tpu.region"() ({
          %run_scoped3A = tpu.sem_alloc : memref<!tpu.dma_semaphore, #tpu.memory_space<semaphore_mem>>
          %dma_start3A_151 = tpu.memref_slice %arg5[%mul3A_150] : memref<1048576xf32, #tpu.memory_space<hbm>> -> memref<64xf32, #tpu.memory_space<hbm>>
          %dma_start3A_152 = tpu.memref_slice %arg5[%mul3A_150] : memref<1048576xf32, #tpu.memory_space<hbm>> -> memref<64xf32, #tpu.memory_space<hbm>>
          tpu.enqueue_dma source(%arg11 : memref<64xf32, #tpu.memory_space<vmem>>) target(%dma_start3A_152 : memref<64xf32, #tpu.memory_space<hbm>>) target_semaphore(%run_scoped3A : memref<!tpu.dma_semaphore, #tpu.memory_space<semaphore_mem>>)
          %dma_wait3A = tpu.memref_slice %arg5[%mul3A_150] : memref<1048576xf32, #tpu.memory_space<hbm>> -> memref<64xf32, #tpu.memory_space<hbm>>
          %dma_wait3A_153 = tpu.memref_slice %arg5[%mul3A_150] : memref<1048576xf32, #tpu.memory_space<hbm>> -> memref<64xf32, #tpu.memory_space<hbm>>
          tpu.wait_dma2 semaphore(%run_scoped3A : memref<!tpu.dma_semaphore, #tpu.memory_space<semaphore_mem>>) src(%arg11 : memref<64xf32, #tpu.memory_space<vmem>>) dst(%dma_wait3A_153 : memref<64xf32, #tpu.memory_space<hbm>>)
          tpu.yield
        }) : () -> ()
      }
      %while3A_113 = arith.constant 1 : i32
      scf.for %while3A_114 = %while3A_111 to %while3A_107 step %while3A_113  : i32 {
        %broadcast_in_dim3A = vector.broadcast %while3A_114 : i32 to vector<16xi32>
        %gather3A = tpu.vector_load_idx %arg8[%broadcast_in_dim3A] : memref<16384xi32, #tpu.memory_space<vmem>>[vector<16xi32>], vector<16xi32>,
        %gather3A_115 = tpu.vector_load_idx %arg6[%gather3A] : memref<16384xi32, #tpu.memory_space<vmem>>[vector<16xi32>], vector<16xi32>,
        %sub3A_116 = arith.constant 999936 : i32
        %sub3A_117 = vector.broadcast %sub3A_116 : i32 to vector<16xi32>
        %sub3A_118 = arith.subi %gather3A_115, %sub3A_117 : vector<16xi32>
        %add3A_119 = arith.constant 0 : i32
        %add3A_120 = vector.broadcast %add3A_119 : i32 to vector<16xi32>
        %add3A_121 = arith.addi %iota3A, %add3A_120 : vector<16xi32>
        %gather3A_122 = tpu.vector_load_idx %arg12[%sub3A_118, %add3A_121] : memref<64x64xf32, #tpu.memory_space<vmem>>[vector<16xi32>, vector<16xi32>], vector<16xf32>,
        %swap3A = arith.constant 0 : index
        %swap3A_123 = tpu.vector_load %arg11[%swap3A] {strides = array<i32>} : memref<64xf32, #tpu.memory_space<vmem>>, vector<16xf32>,
        tpu.vector_store %arg11[%swap3A], %gather3A_122 {strides = array<i32>} : memref<64xf32, #tpu.memory_space<vmem>>, vector<16xf32>,
        %add3A_124 = arith.constant 16 : i32
        %add3A_125 = vector.broadcast %add3A_124 : i32 to vector<16xi32>
        %add3A_126 = arith.addi %iota3A, %add3A_125 : vector<16xi32>
        %gather3A_127 = tpu.vector_load_idx %arg12[%sub3A_118, %add3A_126] : memref<64x64xf32, #tpu.memory_space<vmem>>[vector<16xi32>, vector<16xi32>], vector<16xf32>,
        %swap3A_128 = arith.constant 16 : index
        %swap3A_129 = tpu.vector_load %arg11[%swap3A_128] {strides = array<i32>} : memref<64xf32, #tpu.memory_space<vmem>>, vector<16xf32>,
        tpu.vector_store %arg11[%swap3A_128], %gather3A_127 {strides = array<i32>} : memref<64xf32, #tpu.memory_space<vmem>>, vector<16xf32>,
        %add3A_130 = arith.constant 32 : i32
        %add3A_131 = vector.broadcast %add3A_130 : i32 to vector<16xi32>
        %add3A_132 = arith.addi %iota3A, %add3A_131 : vector<16xi32>
        %gather3A_133 = tpu.vector_load_idx %arg12[%sub3A_118, %add3A_132] : memref<64x64xf32, #tpu.memory_space<vmem>>[vector<16xi32>, vector<16xi32>], vector<16xf32>,
        %swap3A_134 = arith.constant 32 : index
        %swap3A_135 = tpu.vector_load %arg11[%swap3A_134] {strides = array<i32>} : memref<64xf32, #tpu.memory_space<vmem>>, vector<16xf32>,
        tpu.vector_store %arg11[%swap3A_134], %gather3A_133 {strides = array<i32>} : memref<64xf32, #tpu.memory_space<vmem>>, vector<16xf32>,
        %add3A_136 = arith.constant 48 : i32
        %add3A_137 = vector.broadcast %add3A_136 : i32 to vector<16xi32>
        %add3A_138 = arith.addi %iota3A, %add3A_137 : vector<16xi32>
        %gather3A_139 = tpu.vector_load_idx %arg12[%sub3A_118, %add3A_138] : memref<64x64xf32, #tpu.memory_space<vmem>>[vector<16xi32>, vector<16xi32>], vector<16xf32>,
        %swap3A_140 = arith.constant 48 : index
        %swap3A_141 = tpu.vector_load %arg11[%swap3A_140] {strides = array<i32>} : memref<64xf32, #tpu.memory_space<vmem>>, vector<16xf32>,
        tpu.vector_store %arg11[%swap3A_140], %gather3A_139 {strides = array<i32>} : memref<64xf32, #tpu.memory_space<vmem>>, vector<16xf32>,
        %reduce_max3A = arith.constant true
        %reduce_max3A_142 = vector.broadcast %reduce_max3A : i1 to vector<16xi1>
        %reduce_max3A_143 = arith.constant -2147483648 : i32
        %reduce_max3A_144 = vector.broadcast %reduce_max3A_143 : i32 to vector<16xi32>
        %reduce_max3A_145 = arith.xori %gather3A, %reduce_max3A_144 : vector<16xi32>
        %reduce_max3A_146 = tpu.scan <max>, %reduce_max3A_145 masked %reduce_max3A_142 : vector<16xi32>, vector<16xi1> -> vector<16xi32>
        %reduce_max3A_147 = arith.xori %reduce_max3A_146, %reduce_max3A_144 : vector<16xi32>
        %reduce_max3A_148 = vector.extract %reduce_max3A_147[15] : i32 from vector<16xi32>
        %mul3A_149 = arith.constant 64 : i32
        %mul3A_150 = arith.muli %reduce_max3A_148, %mul3A_149 : i32
        "tpu.region"() ({
          %run_scoped3A = tpu.sem_alloc : memref<!tpu.dma_semaphore, #tpu.memory_space<semaphore_mem>>
          %dma_start3A_151 = tpu.memref_slice %arg5[%mul3A_150] : memref<1048576xf32, #tpu.memory_space<hbm>> -> memref<64xf32, #tpu.memory_space<hbm>>
          %dma_start3A_152 = tpu.memref_slice %arg5[%mul3A_150] : memref<1048576xf32, #tpu.memory_space<hbm>> -> memref<64xf32, #tpu.memory_space<hbm>>
          tpu.enqueue_dma source(%arg11 : memref<64xf32, #tpu.memory_space<vmem>>) target(%dma_start3A_152 : memref<64xf32, #tpu.memory_space<hbm>>) target_semaphore(%run_scoped3A : memref<!tpu.dma_semaphore, #tpu.memory_space<semaphore_mem>>)
          %dma_wait3A = tpu.memref_slice %arg5[%mul3A_150] : memref<1048576xf32, #tpu.memory_space<hbm>> -> memref<64xf32, #tpu.memory_space<hbm>>
          %dma_wait3A_153 = tpu.memref_slice %arg5[%mul3A_150] : memref<1048576xf32, #tpu.memory_space<hbm>> -> memref<64xf32, #tpu.memory_space<hbm>>
          tpu.wait_dma2 semaphore(%run_scoped3A : memref<!tpu.dma_semaphore, #tpu.memory_space<semaphore_mem>>) src(%arg11 : memref<64xf32, #tpu.memory_space<vmem>>) dst(%dma_wait3A_153 : memref<64xf32, #tpu.memory_space<hbm>>)
          tpu.yield
        }) : () -> ()
      }
    } else {
    }
    return
  }
}

</mosaic_0001>

<sc_bundles>
// kernel: kernel.3.cloned.1.call-start
scs
__scs_entry_jumppad:
0x0: {  	(pc) =	sbr.rel $0x88, $3  }
0x1: {  	(tag) =	ssettag $0x0;
	lr =	simm.s32 $0x1  }
0x2: {  	[smem:$0x3F9F] =	sst lr;
	_ =	strace $0xD0000000  }
0x3: {  	_ = 	snop  }
0x4: {  	_ = 	snop  }
0x5: {  	_ = 	snop  }
0x6: {  	_ = 	snop  }
0x7: {  	_ = 	snop  }
__scs_overlays_trampoline_lowered:
0x8: {  	[smem:$0x3FAE] =	sst s0  }
0x9: {  	[smem:$0x3FAF] =	sst s1  }
0xa: {  	[smem:$0x3FB0] =	sst s2  }
0xb: {  	[smem:$0x3FB1] =	sst s3  }
0xc: {  	[smem:$0x3FB2] =	sst s4  }
0xd: {  	[smem:$0x3FB3] =	sst s5  }
0xe: {  	[smem:$0x3FB4] =	sst s6  }
0xf: {  	[smem:$0x3FB5] =	sst s7  }
0x10: {  	[smem:$0x3FB6] =	sst s8  }
0x11: {  	[smem:$0x3FB7] =	sst s9;
	s0 =	simm.s32 @!p0 $0x0  }
0x12: {  	s1 =	sld [smem:$0x3F9D];
	s0 =	simm.s32 @p0 $0x1  }
0x13: {  	[smem:$0x3FB8] =	sst s0;
	s0 =	simm.s32 @!p1 $0x0  }
0x14: {  	s2 =	sld [smem:$0x3F9C];
	s0 =	simm.s32 @p1 $0x1  }
0x15: {  	[smem:$0x3FB9] =	sst s0;
	s0 =	simm.s32 @!p2 $0x0  }
0x16: {  	s3 =	sld [smem:$0x3FDB];
	s0 =	simm.s32 @p2 $0x1  }
0x17: {  	s4 =	simm.s32 $0x1BF5;
	[smem:$0x3FBB] =	sst s0  }
0x18: {  	s0 =	sld [smem:$0x3F9E];
	_ =	swait.ge [sflag:s4], $0x0  }
0x19: {  	s7 =	sld [smem:$0x3F9F]  }
0x1a: {  	s8 =	sadd.s32 $0xFFFFE003, lr  }
0x1b: {  	s9 =	sadd.s32 $0xFFFFFEF7, lr;
	s5 =	simm.s32 $0xFFFFFFFF;
	p2 =	slt.u32 s8, $0xFFFFF086  }
0x1c: {  	p1 =	slt.u32 s9, $0xF7A;
	s5 =	simm.s32 @!p2 $0x0  }
0x1d: {  	s5 =	simm.s32 @p1 $0x1;
	p0 =	seq.s32 s7, s2  }
0x1e: {  	s7 =	smul.u32 @!p0 $0xF7A, s2;
	p2 =	seq.s32 @!p0 s5, $0x0  }
0x1f: {  	s9 =	smul.u32 $0xF7A, s1;
	s8 =	simm.s32 @!p0 $0x1BF5;
	p2 =	por !p2, p0  }
0x20: {  	[sflag:s8] =	ssyncset.s32 @!p0 $0xFFFFF086;
	s6 =	sadd.s32 @!p0 s3, s7;
	s7 =	simm.s32 @!p0 $0x108  }
0x21: {  	s3 =	sadd.s32 s3, s9;
	s6 =	sadd.s32 @!p0 $0x88, s6;
	s7 =	simm.s32 @p2 $0x1082  }
0x22: {  	[simem:s7], [sflag:s8] =	dma.local @!p0 [hbm:s6], $0xF7A  }
0x23: {  	s9 =	sor.u32 $0xD0000000, s2;
	s6 =	simm.s32 $0x108;
	_ =	swait.ge @!p0 [sflag:s8], $0x0  }
0x24: {  	s3 =	sadd.s32 $0x88, s3;
	s6 =	simm.s32 @!p1 $0x1082;
	[sflag:s4] =	ssyncset.s32 $0xFFFFF086  }
0x25: {  	[simem:s6], [sflag:s4] =	dma.local [hbm:s3], $0xF7A  }
0x26: {  	[smem:$0x3F9F] =	sst s1;
	(tag) =	ssettag s2;
	_ =	strace s9  }
0x27: {  	s1 =	sld [smem:$0x3FAF]  }
0x28: {  	s2 =	sld [smem:$0x3FB0]  }
0x29: {  	s4 =	sld [smem:$0x3FB2]  }
0x2a: {  	p0 =	seq.s32 s5, $0x0;
	s5 =	sld [smem:$0x3FB3]  }
0x2b: {  	s6 =	sld [smem:$0x3FB4]  }
0x2c: {  	s7 =	sld [smem:$0x3FB5]  }
0x2d: {  	s3 =	simm.s32 $0x108;
	s8 =	sld [smem:$0x3FB6]  }
0x2e: {  	s3 =	simm.s32 @!p0 $0x1082;
	s9 =	sld [smem:$0x3FB7]  }
0x2f: {  	lr =	sadd.s32 s0, s3;
	s0 =	sld [smem:$0x3FAE]  }
0x30: {  	s3 =	sld [smem:$0x3FB1]  }
0x31: {  	[smem:$0x3FBA] =	sst s10  }
0x32: {  	s10 =	sld [smem:$0x3FB8];
	_ =	sdelay $0x3  }
0x33: {  	p0 =	seq.s32 s10, $0x1;
	s10 =	sld [smem:$0x3FBA];
	_ =	sdelay $0x3  }
0x34: {  	[smem:$0x3FBA] =	sst s10  }
0x35: {  	s10 =	sld [smem:$0x3FB9];
	_ =	sdelay $0x3  }
0x36: {  	p1 =	seq.s32 s10, $0x1;
	s10 =	sld [smem:$0x3FBA];
	_ =	sdelay $0x3  }
0x37: {  	[smem:$0x3FBA] =	sst s10  }
0x38: {  	s10 =	sld [smem:$0x3FBB]  }
0x39: {  	_ = 	snop;
	(pc) =	sbr.ind lr, $3  }
0x3a: {  	_ = 	snop  }
0x3b: {  	_ = 	snop  }
0x3c: {  	p2 =	seq.s32 s10, $0x1;
	s10 =	sld [smem:$0x3FBA]  }
0x3d: {  	_ =	shalt  }
0x3e: {  	_ =	shalt  }
0x3f: {  	_ =	shalt  }
0x40: {  	_ =	shalt  }
0x41: {  	_ =	shalt  }
0x42: {  	_ =	shalt  }
0x43: {  	_ =	shalt  }
0x44: {  	_ =	shalt  }
0x45: {  	_ =	shalt  }
0x46: {  	_ =	shalt  }
0x47: {  	_ =	shalt  }
0x48: {  	_ =	shalt  }
0x49: {  	_ =	shalt  }
0x4a: {  	_ =	shalt  }
0x4b: {  	_ =	shalt  }
0x4c: {  	_ =	shalt  }
0x4d: {  	_ =	shalt  }
0x4e: {  	_ =	shalt  }
0x4f: {  	_ =	shalt  }
0x50: {  	_ =	shalt  }
0x51: {  	_ =	shalt  }
0x52: {  	_ =	shalt  }
0x53: {  	_ =	shalt  }
0x54: {  	_ =	shalt  }
0x55: {  	_ =	shalt  }
0x56: {  	_ =	shalt  }
0x57: {  	_ =	shalt  }
0x58: {  	_ =	shalt  }
0x59: {  	_ =	shalt  }
0x5a: {  	_ =	shalt  }
0x5b: {  	_ =	shalt  }
0x5c: {  	_ =	shalt  }
0x5d: {  	_ =	shalt  }
0x5e: {  	_ =	shalt  }
0x5f: {  	_ =	shalt  }
0x60: {  	_ =	shalt  }
0x61: {  	_ =	shalt  }
0x62: {  	_ =	shalt  }
0x63: {  	_ =	shalt  }
0x64: {  	_ =	shalt  }
0x65: {  	_ =	shalt  }
0x66: {  	_ =	shalt  }
0x67: {  	_ =	shalt  }
0x68: {  	_ =	shalt  }
0x69: {  	_ =	shalt  }
0x6a: {  	_ =	shalt  }
0x6b: {  	_ =	shalt  }
0x6c: {  	_ =	shalt  }
0x6d: {  	_ =	shalt  }
0x6e: {  	_ =	shalt  }
0x6f: {  	_ =	shalt  }
0x70: {  	_ =	shalt  }
0x71: {  	_ =	shalt  }
0x72: {  	_ =	shalt  }
0x73: {  	_ =	shalt  }
0x74: {  	_ =	shalt  }
0x75: {  	_ =	shalt  }
0x76: {  	_ =	shalt  }
0x77: {  	_ =	shalt  }
0x78: {  	_ =	shalt  }
0x79: {  	_ =	shalt  }
0x7a: {  	_ =	shalt  }
0x7b: {  	_ =	shalt  }
0x7c: {  	_ =	shalt  }
0x7d: {  	_ =	shalt  }
0x7e: {  	_ =	shalt  }
0x7f: {  	_ =	shalt  }
0x80: {  	_ =	shalt  }
0x81: {  	_ =	shalt  }
0x82: {  	_ =	shalt  }
0x83: {  	_ =	shalt  }
0x84: {  	_ =	shalt  }
0x85: {  	_ =	shalt  }
0x86: {  	_ =	shalt  }
0x87: {  	_ =	shalt  }
.Lfunc_end0:
.L_simem_size_0:
called_computation_lowered:
.L_overlay_start_0:
0x88: {  	s2 =	sld [smem:$0x3FD9]  }
0x89: {  	s3 =	sld [smem:$0x3FFE];
	_ =	sdelay $0x1  }
0x8a: {  	s1 =	srdreg.scid  }
0x8b: {  	s0 =	sand.u32 $0x1, s1  }
0x8c: {  	s17 =	sshll.u32 s0, $0xA;
	s2 =	sadd.s32 s3, s2  }
0x8d: {  	s2 =	sadd.s32 s2, s17  }
0x8e: {  	[smem:$0x3FC6] =	sst s2  }
0x8f: {  	_ = 	snop  }
0x90: {  	s2 =	sld [smem:$0x3FC9]  }
0x91: {  	s18 =	sld [smem:$0x3FC8]  }
0x92: {  	s4 =	sld [smem:$0x3FD0];
	(tm) =	ssettm $0x1  }
0x93: {  	s5 =	sld [smem:$0x3FFB];
	_ =	sdelay $0x3  }
0x94: {  	_ =	strace s5  }
0x95: {  	s5 =	sld [smem:$0x3FFC];
	_ =	sdelay $0x3  }
0x96: {  	_ =	strace s5  }
0x97: {  	s5 =	sld [smem:$0x3FFD];
	_ =	sdelay $0x3  }
0x98: {  	_ =	strace s5  }
0x99: {  	_ =	strace $0x8FFFFFFF  }
0x9a: {  	s19 =	sld [smem:$0x3FDB];
	_ =	sdelay $0x1  }
0x9b: {  	s6 =	simm.s32 $_scs_section_size  }
0x9c: {  	s7 =	simm.s32 $_size__tile_overlayer_lowered;
	s8 =	simm.s32 $_tile_overlayer_lowered  }
0x9d: {  	s22 =	simm.s32 $0x1BFF;
	s21 =	sshll.u32 s8, $0x1;
	s5 =	sadd.s32 s6, s19  }
0x9e: {  	s9 =	simm.s32 $0x0;
	s20 =	sshll.u32 s7, $0x1;
	s7 =	sadd.s32 s21, s5  }
0x9f: {  	[timem:s9], [sflag:s22] =	dma.local [hbm:s7], s20  }
0xa0: {  	_ =	swait.ge [sflag:s22], s20  }
0xa1: {  	s6 =	ssub.s32 $0x0, s20;
	[sflag:s22] =	ssyncset.done $0x0  }
0xa2: {  	[sflag:s22] =	ssyncadd.s32 s6;
	_ =	sdelay $0x1  }
0xa3: {  	s23 =	simm.s32 $0x1B8B  }
0xa4: {  	_ =	swait.ge [sflag:s23], $0x1  }
0xa5: {  	[sflag:s23] =	ssyncset.done $0x0  }
0xa6: {  	s25 =	simm.s32 $0x1B8E;
	s24 =	sld [smem:$0x3FFE];
	[sflag:s23] =	ssyncadd.s32 $0xFFFFFFFF  }
0xa7: {  	s26 =	simm.s32 $execute0_lowered;
	[smem:$0x3FD2] =	sst s25  }
0xa8: {  	s7 =	sshll.u32 s26, $0x1;
	_ =	strace $0x80000046;
	[dreg:$0x1] =	wrdreg $0xFFFFFFFF  }
0xa9: {  	s28 =	simm.s32 $_size_execute0_lowered;
	s5 =	sadd.s32 s5, s7;
	[dreg:$0x0] =	wrdreg $0x0  }
0xaa: {  	s7 =	sshll.u32 s28, $0x1;
	[dreg:$0x2] =	wrdreg s5  }
0xab: {  	[dreg:$0x3] =	wrdreg s7  }
0xac: {  	[dreg:$0x4] =	wrdreg $0xC0  }
0xad: {  	_ =	task [dreg:s9], $0x5FFFF  }
0xae: {  	[dreg:$0x1] =	wrdreg $0xFFFFFFFF  }
0xaf: {  	[dreg:$0x0] =	wrdreg $0x60  }
0xb0: {  	[dreg:$0x2] =	wrdreg s2  }
0xb1: {  	[dreg:$0x3] =	wrdreg s18  }
0xb2: {  	[dreg:$0x4] =	wrdreg s24  }
0xb3: {  	[dreg:$0x5] =	wrdreg s4  }
0xb4: {  	[dreg:$0x6] =	wrdreg $0x9  }
0xb5: {  	_ =	task.clear_ibuf [dreg:s9], $0x7FFFF;
	_ =	strace $0x90000046  }
0xb6: {  	s29 =	simm.s32 $0x9;
	_ =	strace $0x80000048  }
0xb7: {  	_ =	swait.ge [sflag:s29], $0x1  }
0xb8: {  	[sflag:s29] =	ssyncadd.s32 $0xFFFFFFFF  }
0xb9: {  	_ =	strace $0x90000048  }
0xba: {  	_ =	sfence  }
0xbb: {  	s30 =	sld [smem:$0x0];
	_ =	sdelay $0x2  }
0xbc: {  	s31 =	sshll.u32 s1, $0xD;
	s1 =	sshrl.u32 s1, $0x2  }
0xbd: {  	s3 =	sand.u32 $0x4000, s31;
	s1 =	sadd.s32 s1, s30  }
0xbe: {  	s0 =	sor.u32 s3, s0;
	s1 =	sshll.u32 s1, $0x11  }
0xbf: {  	s0 =	sor.u32 s1, s0  }
0xc0: {  	s0 =	sadd.s32 $0x8F2B, s0  }
0xc1: {  	[sflag:s0] =	ssyncadd.remote.s32 $0x1  }
0xc2: {  	_ =	sfence.sel $0xFFFF  }
0xc3: {  	[dreg:$0x0] =	wrdreg $0xFFFFFFFF;
	(pc) =	sbr.abs _section_cstart, $3  }
0xc4: {  	[dreg:$0x1] =	wrdreg $0xFFFFFFFF  }
0xc5: {  	_ =	task.clear_ibuf [dreg:s9], $0x2FFFF;
	_ =	strace $0x9FFFFFFF  }
0xc6: {  	(tm) =	ssettm $0x7FFFFFFF  }
0xc7: {  	_ =	shalt  }
tec
execute0_lowered:
.L_overlay_start_1:
0x0: {  	(tag) =	ssettag $0x1  }
0x1: {  	v0 =	vimm.s32 $0x1380;
	vm14 =	vcmask $0x300  }
0x2: {  	vm13 =	vcmask $0x704;
	vm12 =	vcmask $0xB08;
	vm11 =	vcmask $0xF0C  }
0x3: {  	vm9 =	vcmask $0x1310;
	vm10 =	vcmask $0x1714;
	vm8 =	vcmask $0x1B18  }
0x4: {  	vm7 =	vcmask $0x1F1C;
	vm6 =	vcmask $0x2320;
	vm5 =	vcmask $0x2724  }
0x5: {  	vm4 =	vcmask $0x2B28;
	vm3 =	vcmask $0x2F2C;
	vm2 =	vcmask $0x3330  }
0x6: {  	vm0 =	vcmask $0x3734;
	vm1 =	vcmask $0x3B38;
	v4 =	vimm.s32 $0x3380  }
0x7: {  	v5 =	vimm.s32 $0x5380;
	v6 =	vimm.s32 $0x7380;
	v0 =	vsel vm14, $0x0, v0  }
0x8: {  	v4 =	vsel vm14, $0x2000, v4;
	v5 =	vsel vm14, $0x4000, v5;
	v6 =	vsel vm14, $0x6000, v6  }
0x9: {  	v0 =	vsel vm13, $0x80, v0;
	v4 =	vsel vm13, $0x2080, v4;
	v5 =	vsel vm13, $0x4080, v5  }
0xa: {  	v6 =	vsel vm13, $0x6080, v6;
	v0 =	vsel vm12, $0x100, v0;
	v4 =	vsel vm12, $0x2100, v4  }
0xb: {  	v5 =	vsel vm12, $0x4100, v5;
	v6 =	vsel vm12, $0x6100, v6;
	v0 =	vsel vm11, $0x180, v0  }
0xc: {  	v4 =	vsel vm11, $0x2180, v4;
	v5 =	vsel vm11, $0x4180, v5;
	v6 =	vsel vm11, $0x6180, v6  }
0xd: {  	s8 =	rddreg [dreg:$0x1];
	v0 =	vsel vm9, $0x200, v0;
	v4 =	vsel vm9, $0x2200, v4;
	v5 =	vsel vm9, $0x4200, v5  }
0xe: {  	s1 =	srdreg.scid;
	s9 =	rddreg [dreg:$0x2];
	v6 =	vsel vm9, $0x6200, v6;
	v0 =	vsel vm10, $0x280, v0;
	v4 =	vsel vm10, $0x2280, v4  }
0xf: {  	s0 =	stileid.u32;
	s7 =	simm.s32 $0xF5;
	s4 =	rddreg [dreg:$0x3];
	v5 =	vsel vm10, $0x4280, v5;
	v6 =	vsel vm10, $0x6280, v6;
	v0 =	vsel vm8, $0x300, v0  }
0x10: {  	s3 =	rddreg [dreg:$0x4];
	s6 =	sand.u32 $0x1, s1;
	s30 =	sshll.u32 s0, $0x1;
	v4 =	vsel vm8, $0x2300, v4;
	v5 =	vsel vm8, $0x4300, v5;
	v6 =	vsel vm8, $0x6300, v6  }
0x11: {  	s5 =	simm.s32 $0x0;
	s11 =	simm.s32 $0x1000;
	s19 =	sor.u32 s6, s30;
	v0 =	vsel vm7, $0x380, v0;
	v4 =	vsel vm7, $0x2380, v4;
	v5 =	vsel vm7, $0x4380, v5  }
0x12: {  	s12 =	simm.s32 $0x3;
	s13 =	simm.s32 $0x7A1400;
	s1 =	smul.u32 $0xF4, s19;
	v6 =	vsel vm7, $0x6380, v6;
	v0 =	vsel vm6, $0x1000, v0;
	v4 =	vsel vm6, $0x3000, v4  }
0x13: {  	s14 =	simm.s32 $0xC000;
	p0 =	slt.u32 s0, $0x2;
	s2 =	smin.u32 s19, $0x4;
	v5 =	vsel vm6, $0x5000, v5;
	v6 =	vsel vm6, $0x7000, v6;
	v0 =	vsel vm5, $0x1080, v0  }
0x14: {  	s15 =	simm.s32 $0x14000;
	s7 =	simm.s32 @!p0 $0xF4;
	s1 =	sadd.s32 s2, s1;
	v4 =	vsel vm5, $0x3080, v4;
	v5 =	vsel vm5, $0x5080, v5;
	v6 =	vsel vm5, $0x7080, v6  }
0x15: {  	s16 =	simm.s32 $0x4000;
	s2 =	sadd.s32 s7, s1;
	s1 =	sshll.u32 s1, $0x7;
	v0 =	vsel vm4, $0x1100, v0;
	v4 =	vsel vm4, $0x3100, v4;
	v5 =	vsel vm4, $0x5100, v5  }
0x16: {  	s17 =	simm.s32 $0x8000;
	p0 =	seq.s32 s19, $0x1F;
	s2 =	sshll.u32 s2, $0x7;
	v6 =	vsel vm4, $0x7100, v6;
	v1 =	vsel vm3, $0x1180, v0;
	v0 =	vmov s1  }
0x17: {  	s18 =	simm.s32 $0x1C000;
	s20 =	simm.s32 $0x1;
	s2 =	simm.s32 @p0 $0xF4240;
	v4 =	vsel vm3, $0x3180, v4;
	v5 =	vsel vm3, $0x5180, v5;
	v6 =	vsel vm3, $0x7180, v6  }
0x18: {  	[smem:$0x7FF] =	sst s5;
	s10 =	ssub.s32 $0x2, s6;
	s6 =	sadd.s32 $0x400, s9;
	v2 =	vsel vm2, $0x1200, v1;
	v1 =	vmov s2;
	v4 =	vsel vm2, $0x3200, v4  }
.Ltmp0:
0x19: {  	s31 =	sshrl.u32 s10, $0x1;
	s7 =	sshll.u32 s7, $0x7;
	v5 =	vsel vm2, $0x5200, v5;
	v6 =	vsel vm2, $0x7200, v6;
	v3 =	vsel vm0, $0x1280, v2;
	(pc) =	sbr.rel .LBB2_1-.Ltmp0, $4  }
0x1a: {  	s10 =	ssub.s32 s10, s31;
	s7 =	sadd.s32 $0x180, s7;
	s8 =	sadd.s32 s8, s1;
	v2 =	vlaneseq.u32;
	v4 =	vsel vm0, $0x3280, v4;
	v5 =	vsel vm0, $0x5280, v5  }
0x1b: {  	s7 =	sshrl.u32 s7, $0x9;
	s9 =	sadd.s32 $0x200, s8;
	p0 =	sne.s32 s19, $0x1F;
	v6 =	vsel vm0, $0x7280, v6;
	v3 =	vsel vm1, $0x1300, v3;
	v4 =	vsel vm1, $0x3300, v4  }
0x1c: {  	s19 =	simm.s32 $0x1C080;
	s2 =	rddreg [dreg:$0x0];
	_ =	strace $0x80000047;
	v5 =	vsel vm1, $0x5300, v5;
	v6 =	vsel vm1, $0x7300, v6;
	v7 =	vor.u32 $0xF85F0000, v2  }
0x1d: {  	s21 =	simm.s32 $0x2;
	s22 =	simm.s32 $0x0;
	s10 =	smax.u32 s10, $0x1;
	v8 =	vor.u32 $0xF85F0010, v2;
	v9 =	vor.u32 $0xF85F0020, v2;
	v10 =	vor.u32 $0xF85F0030, v2  }
.LBB2_44:
0x1e: {  	_ =	sdelay $0x2  }
0x1f: {  	[sflag:s12] =	ssyncadd.s32 @p1 $0xFFFFFFC0  }
0x20: {  	v11 =	vld.idx.msk [tilespmem:v11+s17+$0x0], $0xffff;
	_ =	sdelay $0x7  }
0x21: {  	v12 =	vld.idx.msk [tilespmem:v11+s5+$0x0], $0xffff;
	_ =	sdelay $0x4  }
0x22: {  	v12 =	vshll.u32 v12, $0x7  }
0x23: {  	v13 =	vadd.s32 v7, v12;
	_ =	sdelay $0x1  }
0x24: {  	v11 =	vxor.u32 $0x80000000, v11  }
0x25: {  	(xrf0) =	vmax.scan.msk.u32 $0xffff, v11;
	_ =	sdelay $0x1  }
0x26: {  	v11 =	vld.idx.msk [tilespmem:v13+s19+$0x0], $0xffff  }
0x27: {  	v62 =	vadd.s32 v8, v12;
	_ =	sdelay $0x2  }
0x28: {  	v14, _, _ =	vpop (xrf0)  }
0x29: {  	(v2sf) =	vpush v14, $0xF;
	[tilespmem:$0x1C000] =	vst v11  }
0x2a: {  	v11 =	vld.idx.msk [tilespmem:v62+s19+$0x0], $0xffff  }
0x2b: {  	v63 =	vadd.s32 v9, v12;
	_ =	sdelay $0x3  }
0x2c: {  	[tilespmem:$0x1C010] =	vst v11  }
0x2d: {  	v11 =	vld.idx.msk [tilespmem:v63+s19+$0x0], $0xffff  }
0x2e: {  	v12 =	vadd.s32 v10, v12;
	_ =	sdelay $0x3  }
0x2f: {  	[tilespmem:$0x1C020] =	vst v11  }
0x30: {  	v11 =	vld.idx.msk [tilespmem:v12+s19+$0x0], $0xffff;
	_ =	sdelay $0x1  }
0x31: {  	s23 =	spop (v2sf)  }
0x32: {  	s23 =	sshll.u32 s23, $0x3  }
0x33: {  	s23 =	sand.u32 $0x1FFFFFF8, s23  }
0x34: {  	s23 =	sadd.s32 s4, s23;
	[tilespmem:$0x1C030] =	vst v11  }
0x35: {  	[hbm4b:s23+s5] =	stream.linear.scatter [tilespmem:s18], [sflag:$0x3], $0x40, $0x38;
	[tilespmem:$0x1E080] =	vst v63  }
0x36: {  	_ =	swait.ge [sflag:s12], $0x40  }
0x37: {  	[sflag:s12] =	ssyncset.done $0x0  }
0x38: {  	[sflag:s12] =	ssyncadd.s32 $0xFFFFFFC0  }
.LBB2_45:
0x39: {  	s22 =	sadd.s32 $0x1, s22  }
0x3a: {  	p1 =	sne.s32 s22, s10  }
.Ltmp1:
0x3b: {  	_ = 	snop;
	(pc) =	sbr.rel @!p1 .LBB2_46-.Ltmp1, $1  }
0x3c: {  	_ =	sdelay $0x3  }
.LBB2_1:
0x3d: {  	[tilespmem:s5], [sflag:$0x3] =	stream.linear.gather [hbm4b:s2+s5], $0x4000, $0x38;
	[tilespmem:$0x1E080] =	vst v63  }
0x3e: {  	_ =	swait.ge [sflag:s12], $0x4000  }
0x3f: {  	[sflag:s12] =	ssyncset.done $0x0  }
0x40: {  	[sflag:s12] =	ssyncadd.s32 $0xFFFFC000  }
0x41: {  	[tilespmem:s14], [sflag:$0x1] =	stream.strided.gather [hbm4b:s8+s11], $0x8000, s13, s11, $0x38;
	[tilespmem:$0x1E080] =	vst v63  }
0x42: {  	v11 =	vld [tilespmem:s5+$0x0];
	_ =	sdelay $0x4  }
0x43: {  	vm0 =	vge.s32 v11, v0;
	vm1 =	vlt.s32 v11, v1  }
0x44: {  	vm0 =	vmand vm0, vm1  }
0x45: {  	v11 =	vmpcnt.ones.xlane vm0;
	_ =	sdelay $0x1  }
0x46: {  	v11 =	vxor.u32 $0x80000000, v11  }
0x47: {  	(xrf0) =	vmax.scan.msk.u32 $0xffff, v11;
	_ =	sdelay $0x5  }
0x48: {  	v11 =	vor.u32 s5, v2;
	v12, _, _ =	vpop (xrf0)  }
0x49: {  	s23 =	simm.s32 $0x10;
	[tilespmem:s5+$0x4000] =	vst.msk vm0, v11;
	(v2sf) =	vpush v12, $0xF  }
0x4a: {  	s25 =	simm.s32 $0x20;
	s24 =	simm.s32 $0x0;
	s26 =	simm.s32 $0x10;
	v11 =	vld [tilespmem:s23+$0x0]  }
.LBB2_2:
0x4b: {  	p1 =	sne.s32 s25, $0x3FF0;
	_ =	sdelay $0x3  }
0x4c: {  	vm0 =	vge.s32 v11, v0;
	vm1 =	vlt.s32 v11, v1  }
0x4d: {  	vm0 =	vmand vm0, vm1  }
0x4e: {  	v11 =	vmpcnt.ones.xlane vm0;
	_ =	sdelay $0x1  }
0x4f: {  	v11 =	vxor.u32 $0x80000000, v11  }
0x50: {  	(xrf0) =	vmax.scan.msk.u32 $0xffff, v11;
	_ =	sdelay $0x3  }
.Ltmp2:
0x51: {  	s28 =	spop (v2sf);
	(pc) =	sbr.rel @p1 .LBB2_2-.Ltmp2, $4  }
0x52: {  	s24 =	sadd.s32 s28, s24  }
0x53: {  	v11 =	vor.u32 s23, v2;
	s23 =	smov.u32 s25;
	v12, _, _ =	vpop (xrf0);
	s24 =	sadd.s32 $0x80000000, s24  }
0x54: {  	s26 =	sadd.s32 $0x10, s26;
	[tilespmem:s24+$0x4000] =	vst.msk vm0, v11;
	(v2sf) =	vpush v12, $0xF  }
0x55: {  	s25 =	sadd.s32 $0x10, s25;
	v11 =	vld [tilespmem:s26+$0x0]  }
0x56: {  	_ =	sdelay $0x3  }
0x57: {  	vm0 =	vge.s32 v11, v0;
	vm1 =	vlt.s32 v11, v1  }
0x58: {  	vm0 =	vmand vm0, vm1  }
0x59: {  	v11 =	vmpcnt.ones.xlane vm0;
	_ =	sdelay $0x1  }
0x5a: {  	v11 =	vxor.u32 $0x80000000, v11  }
0x5b: {  	(xrf0) =	vmax.scan.msk.u32 $0xffff, v11;
	_ =	sdelay $0x5  }
0x5c: {  	v11, _, _ =	vpop (xrf0)  }
0x5d: {  	(v2sf) =	vpush v11, $0xF;
	_ =	sdelay $0x9  }
0x5e: {  	s25 =	spop (v2sf)  }
0x5f: {  	s24 =	sadd.s32 s25, s24  }
0x60: {  	s24 =	sadd.s32 $0x80000000, s24;
	v11 =	vor.u32 s23, v2  }
0x61: {  	[tilespmem:s24+$0x4000] =	vst.msk vm0, v11  }
0x62: {  	[tilespmem:s15], [sflag:$0x2] =	stream.strided.gather [hbm4b:s9+s11], $0x8000, s13, s11, $0x38;
	[tilespmem:$0x1E080] =	vst v63  }
0x63: {  	s26 =	spop (v2sf)  }
0x64: {  	s28 =	sadd.s32 s26, s24  }
0x65: {  	s29 =	sadd.s32 $0x80000000, s28  }
0x66: {  	s23 =	sadd.s32 $0xF, s29  }
0x67: {  	s30 =	sand.u32 $0xF, s23  }
0x68: {  	s31 =	sshra.s32 s23, $0x1F;
	p2 =	slt.s32 s23, $0x1;
	p1 =	sne.s32 s30, $0x0  }
.Ltmp3:
0x69: {  	s25 =	sshrl.u32 s31, $0x1C;
	p1 =	por !p2, !p1;
	(pc) =	sbr.rel .LBB2_4-.Ltmp3, $4  }
0x6a: {  	s23 =	sadd.s32 s25, s23;
	s25 =	simm.s32 $0x1;
	p1 =	por !p1, !p1  }
0x6b: {  	s23 =	sshra.s32 s23, $0x4;
	s25 =	simm.s32 @!p1 $0x0  }
0x6c: {  	s23 =	ssub.s32 s23, s25  }
0x6d: {  	s24 =	simm.s32 $0x0;
	v11 =	vmov s29;
	p1 =	slt.s32 s23, $0x1  }
.LBB2_28:
0x6e: {  	_ =	sdelay $0x2  }
0x6f: {  	[sflag:s12] =	ssyncadd.s32 @p2 $0xFFFFFFC0  }
0x70: {  	v13 =	vld.idx.msk [tilespmem:v13+s17+$0x0], $0xffff;
	_ =	sdelay $0x7  }
0x71: {  	v14 =	vld.idx.msk [tilespmem:v13+s5+$0x0], $0xffff;
	_ =	sdelay $0x4  }
0x72: {  	v12 =	vsub.s32 v14, v12  }
0x73: {  	v12 =	vshll.u32 v12, $0x3  }
0x74: {  	v14 =	vand.u32 $0x7F, v14;
	v12 =	vand.u32 $0xFFFFFC00, v12  }
0x75: {  	v12 =	vor.u32 v14, v12  }
0x76: {  	v14 =	vadd.s32 v3, v12;
	_ =	sdelay $0x1  }
0x77: {  	v13 =	vxor.u32 $0x80000000, v13  }
0x78: {  	(xrf0) =	vmax.scan.msk.u32 $0xffff, v13;
	_ =	sdelay $0x1  }
0x79: {  	v61 =	vld.idx.msk [tilespmem:v14+s15+$0x0], $0xffff  }
0x7a: {  	v62 =	vadd.s32 v4, v12;
	_ =	sdelay $0x2  }
0x7b: {  	v15, _, _ =	vpop (xrf0)  }
0x7c: {  	(v2sf) =	vpush v15, $0xF;
	[tilespmem:$0x1C000] =	vst v61  }
0x7d: {  	v13 =	vld.idx.msk [tilespmem:v62+s15+$0x0], $0xffff  }
0x7e: {  	v63 =	vadd.s32 v5, v12;
	_ =	sdelay $0x3  }
0x7f: {  	[tilespmem:$0x1C010] =	vst v13  }
0x80: {  	v13 =	vld.idx.msk [tilespmem:v63+s15+$0x0], $0xffff  }
0x81: {  	v12 =	vadd.s32 v6, v12;
	_ =	sdelay $0x3  }
0x82: {  	[tilespmem:$0x1C020] =	vst v13  }
0x83: {  	v12 =	vld.idx.msk [tilespmem:v12+s15+$0x0], $0xffff;
	_ =	sdelay $0x1  }
0x84: {  	s26 =	spop (v2sf)  }
0x85: {  	s26 =	sshll.u32 s26, $0x3  }
0x86: {  	s26 =	sand.u32 $0x1FFFFFF8, s26  }
0x87: {  	s26 =	sadd.s32 s4, s26;
	[tilespmem:$0x1C030] =	vst v12  }
0x88: {  	[hbm4b:s26+s5] =	stream.linear.scatter [tilespmem:s18], [sflag:$0x3], $0x40, $0x38;
	[tilespmem:$0x1E080] =	vst v63  }
0x89: {  	_ =	swait.ge [sflag:s12], $0x40  }
0x8a: {  	[sflag:s12] =	ssyncset.done $0x0  }
0x8b: {  	[sflag:s12] =	ssyncadd.s32 $0xFFFFFFC0  }
.LBB2_29:
0x8c: {  	s25 =	sadd.s32 $0x3, s25  }
0x8d: {  	p2 =	sge.u32 s25, s7  }
0x8e: {  	s25 =	sshll.u32 @!p2 s25, $0x9;
	s26 =	simm.s32 @!p2 $0x1000  }
0x8f: {  	s28 =	simm.s32 @!p2 $0x7A1400;
	s29 =	simm.s32 @!p2 $0x14000;
	s25 =	sadd.s32 @!p2 s25, s8  }
0x90: {  	[tilespmem:s29], [sflag:$0x2] =	stream.strided.gather @!p2 [hbm4b:s25+s26], $0x8000, s28, s26, $0x38;
	[tilespmem:$0x1E080] =	vst v63  }
.LBB2_30:
0x91: {  	s24 =	sadd.s32 $0x1, s24  }
0x92: {  	p2 =	sne.s32 s24, $0x20  }
.Ltmp4:
0x93: {  	_ = 	snop;
	(pc) =	sbr.rel @!p2 .LBB2_31-.Ltmp4, $1  }
0x94: {  	_ =	sdelay $0x3  }
.LBB2_4:
0x95: {  	s25 =	sshll.u32 s24, $0x1  }
0x96: {  	p2 =	sge.u32 s25, s7  }
.Ltmp5:
0x97: {  	_ = 	snop;
	(pc) =	sbr.rel @p2 .LBB2_14-.Ltmp5, $1  }
0x98: {  	_ =	sdelay $0x3  }
.Ltmp6:
0x99: {  	(pc) =	sbr.rel @p1 .LBB2_13-.Ltmp6, $4  }
0x9a: {  	_ = 	snop  }
0x9b: {  	_ =	swait.ge [sflag:s20], $0x8000  }
0x9c: {  	[sflag:s20] =	ssyncset.done $0x0  }
0x9d: {  	[sflag:s20] =	ssyncadd.s32 $0xFFFF8000  }
0x9e: {  	p4 =	seq.s32 s23, $0x1  }
.Ltmp7:
0x9f: {  	_ = 	snop;
	(pc) =	sbr.rel @p4 .LBB2_7-.Ltmp7, $4  }
0xa0: {  	s26 =	sshll.u32 s24, $0xA  }
0xa1: {  	s26 =	sadd.s32 s1, s26  }
0xa2: {  	s28 =	sadd.s32 $0x200, s26;
	v12 =	vmov s26;
	s26 =	simm.s32 $0x0  }
0xa3: {  	p2 =	por $0x0, $0x0;
	p3 =	por $0x0, $0x0;
	v13 =	vmov s28;
	v15 =	vor.u32 s26, v2;
	s28 =	sadd.s32 $0xFFFFFFFF, s23  }
0xa4: {  	vm0 =	vlt.s32 v15, v11;
	_ =	sdelay $0x5  }
0xa5: {  	v14 =	vld.idx.msk [tilespmem:v15+s16+$0x0], vm0;
	_ =	sdelay $0x7  }
0xa6: {  	v15 =	vld.idx.msk [tilespmem:v14+s5+$0x0], vm0;
	_ =	sdelay $0x1  }
0xa7: {  	p4 =	seq.s32 s28, $0x1  }
.Ltmp8:
0xa8: {  	_ = 	snop;
	(pc) =	sbr.rel @p4 .LBB2_19-.Ltmp8, $4  }
0xa9: {  	_ = 	snop  }
0xaa: {  	vm1 =	vlt.s32 v15, v13  }
0xab: {  	s29 =	simm.s32 $0x10;
	vm2 =	vge.s32 v15, v12;
	vm0 =	vmand vm1, vm0  }
0xac: {  	s28 =	sadd.s32 $0xFFFFFFFF, s28;
	p2 =	por $0x1, $0x1;
	v15 =	vor.u32 s29, v2;
	vm0 =	vmand vm0, vm2  }
0xad: {  	vm1 =	vlt.s32 v15, v11;
	_ =	sdelay $0x4  }
0xae: {  	[tilespmem:s26+$0x8000] =	vst.msk vm0, v14  }
0xaf: {  	v14 =	vld.idx.msk [tilespmem:v15+s16+$0x0], vm1;
	v15 =	vmpcnt.ones.xlane vm0;
	_ =	sdelay $0x1  }
0xb0: {  	v15 =	vxor.u32 $0x80000000, v15  }
0xb1: {  	(xrf0) =	vmax.scan.msk.u32 $0xffff, v15;
	_ =	sdelay $0x5  }
0xb2: {  	v16, _, _ =	vpop (xrf0)  }
0xb3: {  	(v2sf) =	vpush v16, $0xF;
	_ =	sdelay $0x4  }
0xb4: {  	v15 =	vld.idx.msk [tilespmem:v14+s5+$0x0], vm1;
	_ =	sdelay $0x1  }
0xb5: {  	p4 =	seq.s32 s28, $0x1  }
.Ltmp9:
0xb6: {  	_ = 	snop;
	(pc) =	sbr.rel @p4 .LBB2_21-.Ltmp9, $4  }
0xb7: {  	_ = 	snop  }
0xb8: {  	vm0 =	vlt.s32 v15, v13  }
0xb9: {  	s29 =	simm.s32 $0x20;
	vm2 =	vge.s32 v15, v12;
	vm0 =	vmand vm0, vm1  }
0xba: {  	s30 =	sadd.s32 $0xFFFFFFFF, s28;
	p3 =	por $0x1, $0x1;
	s28 =	simm.s32 $0x0;
	v15 =	vor.u32 s29, v2;
	vm0 =	vmand vm0, vm2  }
.LBB2_22:
0xbb: {  	p4 =	seq.s32 s30, $0x1;
	vm1 =	vlt.s32 v15, v11;
	v16 =	vmpcnt.ones.xlane vm0;
	_ =	sdelay $0x1  }
0xbc: {  	v16 =	vxor.u32 $0x80000000, v16;
	s31 =	spop (v2sf)  }
0xbd: {  	(xrf0) =	vmax.scan.msk.u32 $0xffff, v16;
	s28 =	sadd.s32 s31, s28  }
0xbe: {  	s28 =	sadd.s32 $0x80000000, s28  }
0xbf: {  	[tilespmem:s28+$0x8000] =	vst.msk vm0, v14  }
0xc0: {  	v14 =	vld.idx.msk [tilespmem:v15+s16+$0x0], vm1;
	_ =	sdelay $0x2  }
0xc1: {  	v15, _, _ =	vpop (xrf0)  }
0xc2: {  	(v2sf) =	vpush v15, $0xF;
	_ =	sdelay $0x3  }
0xc3: {  	v15 =	vld.idx.msk [tilespmem:v14+s5+$0x0], vm1;
	_ =	sdelay $0x3  }
.Ltmp10:
0xc4: {  	(pc) =	sbr.rel @!p4 .LBB2_22-.Ltmp10, $4  }
0xc5: {  	_ = 	snop  }
0xc6: {  	vm0 =	vlt.s32 v15, v13  }
0xc7: {  	s29 =	sadd.s32 $0x10, s29;
	vm2 =	vge.s32 v15, v12;
	vm0 =	vmand vm0, vm1  }
0xc8: {  	s30 =	sadd.s32 $0xFFFFFFFF, s30;
	v15 =	vor.u32 s29, v2;
	vm0 =	vmand vm0, vm2  }
.LBB2_23:
0xc9: {  	_ = 	snop  }
0xca: {  	vm1 =	vlt.s32 v15, v11  }
0xcb: {  	s29 =	spop @p3 (v2sf)  }
0xcc: {  	s28 =	sadd.s32 @p3 s29, s28  }
0xcd: {  	s29 =	simm.s32 $0x0;
	s28 =	sadd.s32 @p3 $0x80000000, s28  }
0xce: {  	s29 =	smov.u32 @p3 s28  }
0xcf: {  	[tilespmem:s29+$0x8000] =	vst.msk @p2 vm0, v14  }
0xd0: {  	v14 =	vld.idx.msk [tilespmem:v15+s16+$0x0], vm1;
	_ =	sdelay $0x7  }
0xd1: {  	v15 =	vld.idx.msk [tilespmem:v14+s5+$0x0], vm1;
	_ =	sdelay $0x4  }
0xd2: {  	v16 =	vmpcnt.ones.xlane @p2 vm0;
	vm15 =	vlt.s32 v15, v13  }
0xd3: {  	vm2 =	vge.s32 v15, v12;
	vm0 =	vmand vm15, vm1  }
0xd4: {  	v13 =	vxor.u32 @p2 $0x80000000, v16;
	vm0 =	vmand vm0, vm2  }
0xd5: {  	(xrf0) =	vmax.scan.msk.u32 @p2 $0xffff, v13;
	v13 =	vmpcnt.ones.xlane vm0;
	_ =	sdelay $0x1  }
0xd6: {  	v13 =	vxor.u32 $0x80000000, v13  }
0xd7: {  	(xrf0) =	vmax.scan.msk.u32 $0xffff, v13;
	_ =	sdelay $0x2  }
0xd8: {  	v13, _, _ =	vpop @p2 (xrf0)  }
0xd9: {  	(v2sf) =	vpush @p2 v13, $0xF;
	_ =	sdelay $0x1  }
0xda: {  	v13, _, _ =	vpop (xrf0)  }
0xdb: {  	(v2sf) =	vpush v13, $0xF;
	_ =	sdelay $0xb  }
0xdc: {  	s28 =	spop @p2 (v2sf)  }
0xdd: {  	s28 =	sadd.s32 @p2 s28, s29  }
0xde: {  	s28 =	sadd.s32 @p2 $0x80000000, s28  }
0xdf: {  	s26 =	smov.u32 @p2 s28;
	s28 =	spop (v2sf)  }
0xe0: {  	s29 =	sadd.s32 s28, s26  }
0xe1: {  	[tilespmem:s26+$0x8000] =	vst.msk vm0, v14;
	s29 =	sadd.s32 $0x80000000, s29  }
0xe2: {  	p2 =	slt.s32 s29, $0x1  }
.Ltmp11:
0xe3: {  	_ = 	snop;
	(pc) =	sbr.rel @p2 .LBB2_13-.Ltmp11, $1  }
0xe4: {  	_ =	sdelay $0x3  }
0xe5: {  	s26 =	sadd.s32 s26, s28  }
0xe6: {  	s26 =	sadd.s32 $0x80000000, s26  }
0xe7: {  	p3 =	sne.s32 s26, $0x1  }
.Ltmp12:
0xe8: {  	_ = 	snop;
	(pc) =	sbr.rel @!p3 .LBB2_12-.Ltmp12, $3  }
0xe9: {  	_ =	sdelay $0x1  }
0xea: {  	s31 =	simm.s32 $0x0  }
0xeb: {  	s29 =	simm.s32 $0x1;
	p2 =	por $0x0, $0x0;
	v13 =	vmov s31  }
0xec: {  	_ =	sdelay $0x3  }
0xed: {  	v13 =	vld.idx.msk [tilespmem:v13+s17+$0x0], $0xffff;
	_ =	sdelay $0x7  }
0xee: {  	v14 =	vld.idx.msk [tilespmem:v13+s5+$0x0], $0xffff;
	_ =	sdelay $0x4  }
0xef: {  	v15 =	vsub.s32 v14, v12  }
0xf0: {  	v15 =	vshll.u32 v15, $0x3  }
0xf1: {  	v14 =	vand.u32 $0x7F, v14;
	v15 =	vand.u32 $0xFFFFFC00, v15  }
0xf2: {  	v14 =	vor.u32 v14, v15  }
0xf3: {  	v15 =	vadd.s32 v3, v14;
	_ =	sdelay $0x1  }
0xf4: {  	v13 =	vxor.u32 $0x80000000, v13  }
0xf5: {  	(xrf0) =	vmax.scan.msk.u32 $0xffff, v13;
	_ =	sdelay $0x1  }
0xf6: {  	v13 =	vld.idx.msk [tilespmem:v15+s14+$0x0], $0xffff  }
0xf7: {  	v15 =	vadd.s32 v4, v14;
	_ =	sdelay $0x2  }
0xf8: {  	v16, _, _ =	vpop (xrf0)  }
0xf9: {  	(v2sf) =	vpush v16, $0xF;
	[tilespmem:$0x1C000] =	vst v13  }
0xfa: {  	v13 =	vld.idx.msk [tilespmem:v15+s14+$0x0], $0xffff  }
0xfb: {  	v15 =	vadd.s32 v5, v14;
	_ =	sdelay $0x3  }
0xfc: {  	[tilespmem:$0x1C010] =	vst v13  }
0xfd: {  	v13 =	vld.idx.msk [tilespmem:v15+s14+$0x0], $0xffff  }
0xfe: {  	v14 =	vadd.s32 v6, v14;
	_ =	sdelay $0x3  }
0xff: {  	[tilespmem:$0x1C020] =	vst v13  }
0x100: {  	v13 =	vld.idx.msk [tilespmem:v14+s14+$0x0], $0xffff;
	_ =	sdelay $0x1  }
0x101: {  	s28 =	spop (v2sf)  }
0x102: {  	p3 =	sne.s32 s26, $0x2;
	s28 =	sshll.u32 s28, $0x3  }
.Ltmp13:
0x103: {  	s28 =	sand.u32 $0x1FFFFFF8, s28;
	(pc) =	sbr.rel @!p3 .LBB2_12-.Ltmp13, $4  }
0x104: {  	s28 =	sadd.s32 s4, s28;
	[tilespmem:$0x1C030] =	vst v13;
	v13 =	vmov s29  }
0x105: {  	[hbm4b:s28+s5] =	stream.linear.scatter [tilespmem:s18], [sflag:$0x3], $0x40, $0x38;
	[tilespmem:$0x1E080] =	vst v63  }
0x106: {  	_ =	swait.ge [sflag:s12], $0x40  }
0x107: {  	p2 =	por $0x1, $0x1;
	s28 =	simm.s32 $0x2;
	[sflag:s12] =	ssyncset.done $0x0  }
.LBB2_11:
0x108: {  	[sflag:s12] =	ssyncadd.s32 $0xFFFFFFC0;
	s29 =	smov.u32 s28;
	s28 =	sadd.s32 $0x1, s28  }
0x109: {  	p3 =	sne.s32 s26, s28;
	v13 =	vld.idx.msk [tilespmem:v13+s17+$0x0], $0xffff;
	_ =	sdelay $0x5  }
0x10a: {  	v14 =	vxor.u32 $0x80000000, v13  }
0x10b: {  	(xrf0) =	vmax.scan.msk.u32 $0xffff, v14  }
0x10c: {  	v13 =	vld.idx.msk [tilespmem:v13+s5+$0x0], $0xffff;
	_ =	sdelay $0x4  }
0x10d: {  	v14, _, _ =	vpop (xrf0)  }
0x10e: {  	v15 =	vsub.s32 v13, v12;
	(v2sf) =	vpush v14, $0xF  }
0x10f: {  	v14 =	vshll.u32 v15, $0x3  }
0x110: {  	v13 =	vand.u32 $0x7F, v13;
	v14 =	vand.u32 $0xFFFFFC00, v14  }
0x111: {  	v13 =	vor.u32 v13, v14  }
0x112: {  	v14 =	vadd.s32 v3, v13;
	_ =	sdelay $0x4  }
0x113: {  	v14 =	vld.idx.msk [tilespmem:v14+s14+$0x0], $0xffff;
	_ =	sdelay $0x1  }
0x114: {  	v15 =	vadd.s32 v4, v13;
	_ =	sdelay $0x3  }
0x115: {  	[tilespmem:$0x1C000] =	vst v14;
	s30 =	spop (v2sf)  }
0x116: {  	v14 =	vld.idx.msk [tilespmem:v15+s14+$0x0], $0xffff;
	s30 =	sshll.u32 s30, $0x3  }
0x117: {  	s30 =	sand.u32 $0x1FFFFFF8, s30  }
0x118: {  	v15 =	vadd.s32 v5, v13;
	_ =	sdelay $0x3  }
0x119: {  	[tilespmem:$0x1C010] =	vst v14  }
0x11a: {  	v14 =	vld.idx.msk [tilespmem:v15+s14+$0x0], $0xffff;
	_ =	sdelay $0x1  }
0x11b: {  	v13 =	vadd.s32 v6, v13;
	_ =	sdelay $0x3  }
0x11c: {  	[tilespmem:$0x1C020] =	vst v14  }
0x11d: {  	v14 =	vld.idx.msk [tilespmem:v13+s14+$0x0], $0xffff;
	_ =	sdelay $0x4  }
.Ltmp14:
0x11e: {  	(pc) =	sbr.rel @p3 .LBB2_11-.Ltmp14, $4  }
0x11f: {  	v13 =	vmov s29;
	s29 =	sadd.s32 s4, s30;
	[tilespmem:$0x1C030] =	vst v14  }
0x120: {  	[hbm4b:s29+s5] =	stream.linear.scatter [tilespmem:s18], [sflag:$0x3], $0x40, $0x38;
	[tilespmem:$0x1E080] =	vst v63  }
0x121: {  	_ =	swait.ge [sflag:s12], $0x40  }
0x122: {  	[sflag:s12] =	ssyncset.done $0x0  }
.LBB2_12:
0x123: {  	_ =	sdelay $0x2  }
0x124: {  	[sflag:s12] =	ssyncadd.s32 @p2 $0xFFFFFFC0  }
0x125: {  	v13 =	vld.idx.msk [tilespmem:v13+s17+$0x0], $0xffff;
	_ =	sdelay $0x7  }
0x126: {  	v14 =	vld.idx.msk [tilespmem:v13+s5+$0x0], $0xffff;
	_ =	sdelay $0x4  }
0x127: {  	v12 =	vsub.s32 v14, v12  }
0x128: {  	v12 =	vshll.u32 v12, $0x3  }
0x129: {  	v14 =	vand.u32 $0x7F, v14;
	v12 =	vand.u32 $0xFFFFFC00, v12  }
0x12a: {  	v12 =	vor.u32 v14, v12  }
0x12b: {  	v14 =	vadd.s32 v3, v12;
	_ =	sdelay $0x1  }
0x12c: {  	v13 =	vxor.u32 $0x80000000, v13  }
0x12d: {  	(xrf0) =	vmax.scan.msk.u32 $0xffff, v13;
	_ =	sdelay $0x1  }
0x12e: {  	v61 =	vld.idx.msk [tilespmem:v14+s14+$0x0], $0xffff  }
0x12f: {  	v62 =	vadd.s32 v4, v12;
	_ =	sdelay $0x2  }
0x130: {  	v15, _, _ =	vpop (xrf0)  }
0x131: {  	(v2sf) =	vpush v15, $0xF;
	[tilespmem:$0x1C000] =	vst v61  }
0x132: {  	v13 =	vld.idx.msk [tilespmem:v62+s14+$0x0], $0xffff  }
0x133: {  	v63 =	vadd.s32 v5, v12;
	_ =	sdelay $0x3  }
0x134: {  	[tilespmem:$0x1C010] =	vst v13  }
0x135: {  	v13 =	vld.idx.msk [tilespmem:v63+s14+$0x0], $0xffff  }
0x136: {  	v12 =	vadd.s32 v6, v12;
	_ =	sdelay $0x3  }
0x137: {  	[tilespmem:$0x1C020] =	vst v13  }
0x138: {  	v12 =	vld.idx.msk [tilespmem:v12+s14+$0x0], $0xffff;
	_ =	sdelay $0x1  }
0x139: {  	s26 =	spop (v2sf)  }
0x13a: {  	s26 =	sshll.u32 s26, $0x3  }
0x13b: {  	s26 =	sand.u32 $0x1FFFFFF8, s26  }
0x13c: {  	s26 =	sadd.s32 s4, s26;
	[tilespmem:$0x1C030] =	vst v12  }
0x13d: {  	[hbm4b:s26+s5] =	stream.linear.scatter [tilespmem:s18], [sflag:$0x3], $0x40, $0x38;
	[tilespmem:$0x1E080] =	vst v63  }
0x13e: {  	_ =	swait.ge [sflag:s12], $0x40  }
0x13f: {  	[sflag:s12] =	ssyncset.done $0x0  }
0x140: {  	[sflag:s12] =	ssyncadd.s32 $0xFFFFFFC0  }
.LBB2_13:
0x141: {  	s26 =	sadd.s32 $0x2, s25  }
0x142: {  	p2 =	sge.u32 s26, s7  }
0x143: {  	s26 =	sshll.u32 @!p2 s26, $0x9;
	s28 =	simm.s32 @!p2 $0x1000  }
0x144: {  	s29 =	simm.s32 @!p2 $0x7A1400;
	s30 =	simm.s32 @!p2 $0xC000;
	s26 =	sadd.s32 @!p2 s26, s8  }
0x145: {  	[tilespmem:s30], [sflag:$0x1] =	stream.strided.gather @!p2 [hbm4b:s26+s28], $0x8000, s29, s28, $0x38;
	[tilespmem:$0x1E080] =	vst v63  }
.LBB2_14:
0x146: {  	s26 =	sor.u32 $0x1, s25  }
0x147: {  	p2 =	sge.u32 s26, s7  }
.Ltmp15:
0x148: {  	_ = 	snop;
	(pc) =	sbr.rel @p2 .LBB2_30-.Ltmp15, $1  }
0x149: {  	_ =	sdelay $0x3  }
.Ltmp16:
0x14a: {  	(pc) =	sbr.rel @p1 .LBB2_29-.Ltmp16, $4  }
0x14b: {  	_ = 	snop  }
0x14c: {  	_ =	swait.ge [sflag:s21], $0x8000  }
0x14d: {  	[sflag:s21] =	ssyncset.done $0x0  }
0x14e: {  	[sflag:s21] =	ssyncadd.s32 $0xFFFF8000  }
0x14f: {  	p4 =	seq.s32 s23, $0x1  }
.Ltmp17:
0x150: {  	_ = 	snop;
	(pc) =	sbr.rel @p4 .LBB2_17-.Ltmp17, $4  }
0x151: {  	s26 =	sshll.u32 s26, $0x9  }
0x152: {  	s26 =	sadd.s32 s1, s26  }
0x153: {  	s28 =	sadd.s32 $0x200, s26;
	v12 =	vmov s26;
	s26 =	simm.s32 $0x0  }
0x154: {  	p2 =	por $0x0, $0x0;
	p3 =	por $0x0, $0x0;
	v13 =	vmov s28;
	v15 =	vor.u32 s26, v2;
	s28 =	sadd.s32 $0xFFFFFFFF, s23  }
0x155: {  	vm0 =	vlt.s32 v15, v11;
	_ =	sdelay $0x5  }
0x156: {  	v14 =	vld.idx.msk [tilespmem:v15+s16+$0x0], vm0;
	_ =	sdelay $0x7  }
0x157: {  	v15 =	vld.idx.msk [tilespmem:v14+s5+$0x0], vm0;
	_ =	sdelay $0x1  }
0x158: {  	p4 =	seq.s32 s28, $0x1  }
.Ltmp18:
0x159: {  	_ = 	snop;
	(pc) =	sbr.rel @p4 .LBB2_35-.Ltmp18, $4  }
0x15a: {  	_ = 	snop  }
0x15b: {  	vm1 =	vlt.s32 v15, v13  }
0x15c: {  	s29 =	simm.s32 $0x10;
	vm2 =	vge.s32 v15, v12;
	vm0 =	vmand vm1, vm0  }
0x15d: {  	s28 =	sadd.s32 $0xFFFFFFFF, s28;
	p2 =	por $0x1, $0x1;
	v15 =	vor.u32 s29, v2;
	vm0 =	vmand vm0, vm2  }
0x15e: {  	vm1 =	vlt.s32 v15, v11;
	_ =	sdelay $0x4  }
0x15f: {  	[tilespmem:s26+$0x8000] =	vst.msk vm0, v14  }
0x160: {  	v14 =	vld.idx.msk [tilespmem:v15+s16+$0x0], vm1;
	v15 =	vmpcnt.ones.xlane vm0;
	_ =	sdelay $0x1  }
0x161: {  	v15 =	vxor.u32 $0x80000000, v15  }
0x162: {  	(xrf0) =	vmax.scan.msk.u32 $0xffff, v15;
	_ =	sdelay $0x5  }
0x163: {  	v16, _, _ =	vpop (xrf0)  }
0x164: {  	(v2sf) =	vpush v16, $0xF;
	_ =	sdelay $0x4  }
0x165: {  	v15 =	vld.idx.msk [tilespmem:v14+s5+$0x0], vm1;
	_ =	sdelay $0x1  }
0x166: {  	p4 =	seq.s32 s28, $0x1  }
.Ltmp19:
0x167: {  	_ = 	snop;
	(pc) =	sbr.rel @p4 .LBB2_37-.Ltmp19, $4  }
0x168: {  	_ = 	snop  }
0x169: {  	vm0 =	vlt.s32 v15, v13  }
0x16a: {  	s29 =	simm.s32 $0x20;
	vm2 =	vge.s32 v15, v12;
	vm0 =	vmand vm0, vm1  }
0x16b: {  	s30 =	sadd.s32 $0xFFFFFFFF, s28;
	p3 =	por $0x1, $0x1;
	s28 =	simm.s32 $0x0;
	v15 =	vor.u32 s29, v2;
	vm0 =	vmand vm0, vm2  }
.LBB2_38:
0x16c: {  	p4 =	seq.s32 s30, $0x1;
	vm1 =	vlt.s32 v15, v11;
	v16 =	vmpcnt.ones.xlane vm0;
	_ =	sdelay $0x1  }
0x16d: {  	v16 =	vxor.u32 $0x80000000, v16;
	s31 =	spop (v2sf)  }
0x16e: {  	(xrf0) =	vmax.scan.msk.u32 $0xffff, v16;
	s28 =	sadd.s32 s31, s28  }
0x16f: {  	s28 =	sadd.s32 $0x80000000, s28  }
0x170: {  	[tilespmem:s28+$0x8000] =	vst.msk vm0, v14  }
0x171: {  	v14 =	vld.idx.msk [tilespmem:v15+s16+$0x0], vm1;
	_ =	sdelay $0x2  }
0x172: {  	v15, _, _ =	vpop (xrf0)  }
0x173: {  	(v2sf) =	vpush v15, $0xF;
	_ =	sdelay $0x3  }
0x174: {  	v15 =	vld.idx.msk [tilespmem:v14+s5+$0x0], vm1;
	_ =	sdelay $0x3  }
.Ltmp20:
0x175: {  	(pc) =	sbr.rel @!p4 .LBB2_38-.Ltmp20, $4  }
0x176: {  	_ = 	snop  }
0x177: {  	vm0 =	vlt.s32 v15, v13  }
0x178: {  	s29 =	sadd.s32 $0x10, s29;
	vm2 =	vge.s32 v15, v12;
	vm0 =	vmand vm0, vm1  }
0x179: {  	s30 =	sadd.s32 $0xFFFFFFFF, s30;
	v15 =	vor.u32 s29, v2;
	vm0 =	vmand vm0, vm2  }
.LBB2_39:
0x17a: {  	_ = 	snop  }
0x17b: {  	vm1 =	vlt.s32 v15, v11  }
0x17c: {  	s29 =	spop @p3 (v2sf)  }
0x17d: {  	s28 =	sadd.s32 @p3 s29, s28  }
0x17e: {  	s29 =	simm.s32 $0x0;
	s28 =	sadd.s32 @p3 $0x80000000, s28  }
0x17f: {  	s29 =	smov.u32 @p3 s28  }
0x180: {  	[tilespmem:s29+$0x8000] =	vst.msk @p2 vm0, v14  }
0x181: {  	v14 =	vld.idx.msk [tilespmem:v15+s16+$0x0], vm1;
	_ =	sdelay $0x7  }
0x182: {  	v15 =	vld.idx.msk [tilespmem:v14+s5+$0x0], vm1;
	_ =	sdelay $0x4  }
0x183: {  	v16 =	vmpcnt.ones.xlane @p2 vm0;
	vm15 =	vlt.s32 v15, v13  }
0x184: {  	vm2 =	vge.s32 v15, v12;
	vm0 =	vmand vm15, vm1  }
0x185: {  	v13 =	vxor.u32 @p2 $0x80000000, v16;
	vm0 =	vmand vm0, vm2  }
0x186: {  	(xrf0) =	vmax.scan.msk.u32 @p2 $0xffff, v13;
	v13 =	vmpcnt.ones.xlane vm0;
	_ =	sdelay $0x1  }
0x187: {  	v13 =	vxor.u32 $0x80000000, v13  }
0x188: {  	(xrf0) =	vmax.scan.msk.u32 $0xffff, v13;
	_ =	sdelay $0x2  }
0x189: {  	v13, _, _ =	vpop @p2 (xrf0)  }
0x18a: {  	(v2sf) =	vpush @p2 v13, $0xF;
	_ =	sdelay $0x1  }
0x18b: {  	v13, _, _ =	vpop (xrf0)  }
0x18c: {  	(v2sf) =	vpush v13, $0xF;
	_ =	sdelay $0xb  }
0x18d: {  	s28 =	spop @p2 (v2sf)  }
0x18e: {  	s28 =	sadd.s32 @p2 s28, s29  }
0x18f: {  	s28 =	sadd.s32 @p2 $0x80000000, s28  }
0x190: {  	s26 =	smov.u32 @p2 s28;
	s28 =	spop (v2sf)  }
0x191: {  	s29 =	sadd.s32 s28, s26  }
0x192: {  	[tilespmem:s26+$0x8000] =	vst.msk vm0, v14;
	s29 =	sadd.s32 $0x80000000, s29  }
0x193: {  	p2 =	slt.s32 s29, $0x1  }
.Ltmp21:
0x194: {  	_ = 	snop;
	(pc) =	sbr.rel @p2 .LBB2_29-.Ltmp21, $1  }
0x195: {  	_ =	sdelay $0x3  }
0x196: {  	s26 =	sadd.s32 s26, s28  }
0x197: {  	s26 =	sadd.s32 $0x80000000, s26  }
0x198: {  	p3 =	sne.s32 s26, $0x1  }
.Ltmp22:
0x199: {  	_ = 	snop;
	(pc) =	sbr.rel @!p3 .LBB2_28-.Ltmp22, $3  }
0x19a: {  	_ =	sdelay $0x1  }
0x19b: {  	s31 =	simm.s32 $0x0  }
0x19c: {  	s29 =	simm.s32 $0x1;
	p2 =	por $0x0, $0x0;
	v13 =	vmov s31  }
0x19d: {  	_ =	sdelay $0x3  }
0x19e: {  	v13 =	vld.idx.msk [tilespmem:v13+s17+$0x0], $0xffff;
	_ =	sdelay $0x7  }
0x19f: {  	v14 =	vld.idx.msk [tilespmem:v13+s5+$0x0], $0xffff;
	_ =	sdelay $0x4  }
0x1a0: {  	v15 =	vsub.s32 v14, v12  }
0x1a1: {  	v15 =	vshll.u32 v15, $0x3  }
0x1a2: {  	v14 =	vand.u32 $0x7F, v14;
	v15 =	vand.u32 $0xFFFFFC00, v15  }
0x1a3: {  	v14 =	vor.u32 v14, v15  }
0x1a4: {  	v15 =	vadd.s32 v3, v14;
	_ =	sdelay $0x1  }
0x1a5: {  	v13 =	vxor.u32 $0x80000000, v13  }
0x1a6: {  	(xrf0) =	vmax.scan.msk.u32 $0xffff, v13;
	_ =	sdelay $0x1  }
0x1a7: {  	v13 =	vld.idx.msk [tilespmem:v15+s15+$0x0], $0xffff  }
0x1a8: {  	v15 =	vadd.s32 v4, v14;
	_ =	sdelay $0x2  }
0x1a9: {  	v16, _, _ =	vpop (xrf0)  }
0x1aa: {  	(v2sf) =	vpush v16, $0xF;
	[tilespmem:$0x1C000] =	vst v13  }
0x1ab: {  	v13 =	vld.idx.msk [tilespmem:v15+s15+$0x0], $0xffff  }
0x1ac: {  	v15 =	vadd.s32 v5, v14;
	_ =	sdelay $0x3  }
0x1ad: {  	[tilespmem:$0x1C010] =	vst v13  }
0x1ae: {  	v13 =	vld.idx.msk [tilespmem:v15+s15+$0x0], $0xffff  }
0x1af: {  	v14 =	vadd.s32 v6, v14;
	_ =	sdelay $0x3  }
0x1b0: {  	[tilespmem:$0x1C020] =	vst v13  }
0x1b1: {  	v13 =	vld.idx.msk [tilespmem:v14+s15+$0x0], $0xffff;
	_ =	sdelay $0x1  }
0x1b2: {  	s28 =	spop (v2sf)  }
0x1b3: {  	p3 =	sne.s32 s26, $0x2;
	s28 =	sshll.u32 s28, $0x3  }
.Ltmp23:
0x1b4: {  	s28 =	sand.u32 $0x1FFFFFF8, s28;
	(pc) =	sbr.rel @!p3 .LBB2_28-.Ltmp23, $4  }
0x1b5: {  	s28 =	sadd.s32 s4, s28;
	[tilespmem:$0x1C030] =	vst v13;
	v13 =	vmov s29  }
0x1b6: {  	[hbm4b:s28+s5] =	stream.linear.scatter [tilespmem:s18], [sflag:$0x3], $0x40, $0x38;
	[tilespmem:$0x1E080] =	vst v63  }
0x1b7: {  	_ =	swait.ge [sflag:s12], $0x40  }
0x1b8: {  	p2 =	por $0x1, $0x1;
	s28 =	simm.s32 $0x2;
	[sflag:s12] =	ssyncset.done $0x0  }
.LBB2_27:
0x1b9: {  	[sflag:s12] =	ssyncadd.s32 $0xFFFFFFC0;
	s29 =	smov.u32 s28;
	s28 =	sadd.s32 $0x1, s28  }
0x1ba: {  	p3 =	sne.s32 s26, s28;
	v13 =	vld.idx.msk [tilespmem:v13+s17+$0x0], $0xffff;
	_ =	sdelay $0x5  }
0x1bb: {  	v14 =	vxor.u32 $0x80000000, v13  }
0x1bc: {  	(xrf0) =	vmax.scan.msk.u32 $0xffff, v14  }
0x1bd: {  	v13 =	vld.idx.msk [tilespmem:v13+s5+$0x0], $0xffff;
	_ =	sdelay $0x4  }
0x1be: {  	v14, _, _ =	vpop (xrf0)  }
0x1bf: {  	v15 =	vsub.s32 v13, v12;
	(v2sf) =	vpush v14, $0xF  }
0x1c0: {  	v14 =	vshll.u32 v15, $0x3  }
0x1c1: {  	v13 =	vand.u32 $0x7F, v13;
	v14 =	vand.u32 $0xFFFFFC00, v14  }
0x1c2: {  	v13 =	vor.u32 v13, v14  }
0x1c3: {  	v14 =	vadd.s32 v3, v13;
	_ =	sdelay $0x4  }
0x1c4: {  	v14 =	vld.idx.msk [tilespmem:v14+s15+$0x0], $0xffff;
	_ =	sdelay $0x1  }
0x1c5: {  	v15 =	vadd.s32 v4, v13;
	_ =	sdelay $0x3  }
0x1c6: {  	[tilespmem:$0x1C000] =	vst v14;
	s30 =	spop (v2sf)  }
0x1c7: {  	v14 =	vld.idx.msk [tilespmem:v15+s15+$0x0], $0xffff;
	s30 =	sshll.u32 s30, $0x3  }
0x1c8: {  	s30 =	sand.u32 $0x1FFFFFF8, s30  }
0x1c9: {  	v15 =	vadd.s32 v5, v13;
	_ =	sdelay $0x3  }
0x1ca: {  	[tilespmem:$0x1C010] =	vst v14  }
0x1cb: {  	v14 =	vld.idx.msk [tilespmem:v15+s15+$0x0], $0xffff;
	_ =	sdelay $0x1  }
0x1cc: {  	v13 =	vadd.s32 v6, v13;
	_ =	sdelay $0x3  }
0x1cd: {  	[tilespmem:$0x1C020] =	vst v14  }
0x1ce: {  	v14 =	vld.idx.msk [tilespmem:v13+s15+$0x0], $0xffff;
	_ =	sdelay $0x4  }
.Ltmp24:
0x1cf: {  	(pc) =	sbr.rel @p3 .LBB2_27-.Ltmp24, $4  }
0x1d0: {  	v13 =	vmov s29;
	s29 =	sadd.s32 s4, s30;
	[tilespmem:$0x1C030] =	vst v14  }
0x1d1: {  	[hbm4b:s29+s5] =	stream.linear.scatter [tilespmem:s18], [sflag:$0x3], $0x40, $0x38;
	[tilespmem:$0x1E080] =	vst v63  }
0x1d2: {  	_ =	swait.ge [sflag:s12], $0x40  }
0x1d3: {  	[sflag:s12] =	ssyncset.done $0x0  }
.Ltmp25:
0x1d4: {  	_ = 	snop;
	(pc) =	sbr.rel .LBB2_28-.Ltmp25, $1  }
0x1d5: {  	_ =	sdelay $0x3  }
.LBB2_7:
.Ltmp26:
0x1d6: {  	(pc) =	sbr.rel .LBB2_23-.Ltmp26, $2  }
0x1d7: {  	_ =	sdelay $0x2  }
0x1d8: {  	s28 =	simm.s32 $0x0  }
.LBB2_17:
.Ltmp27:
0x1d9: {  	(pc) =	sbr.rel .LBB2_39-.Ltmp27, $2  }
0x1da: {  	_ =	sdelay $0x2  }
0x1db: {  	s28 =	simm.s32 $0x0  }
.LBB2_19:
.Ltmp28:
0x1dc: {  	(pc) =	sbr.rel .LBB2_23-.Ltmp28, $2  }
0x1dd: {  	_ =	sdelay $0x2  }
0x1de: {  	s28 =	simm.s32 $0x0  }
.LBB2_35:
.Ltmp29:
0x1df: {  	(pc) =	sbr.rel .LBB2_39-.Ltmp29, $2  }
0x1e0: {  	_ =	sdelay $0x2  }
0x1e1: {  	s28 =	simm.s32 $0x0  }
.LBB2_21:
.Ltmp30:
0x1e2: {  	(pc) =	sbr.rel .LBB2_23-.Ltmp30, $2  }
0x1e3: {  	_ =	sdelay $0x2  }
0x1e4: {  	s28 =	simm.s32 $0x0  }
.LBB2_37:
.Ltmp31:
0x1e5: {  	(pc) =	sbr.rel .LBB2_39-.Ltmp31, $2  }
0x1e6: {  	_ =	sdelay $0x2  }
0x1e7: {  	s28 =	simm.s32 $0x0  }
.LBB2_31:
0x1e8: {  	s24 =	simm.s32 @!p0 $0x0;
	s25 =	simm.s32 @!p0 $0x1C080;
	p1 =	sgt.s32 @!p0 s23, $0x0  }
0x1e9: {  	[tilespmem:s25], [sflag:$0x3] =	stream.linear.gather @!p0 [hbm4b:s6+s24], $0x2000, $0x38;
	[tilespmem:$0x1E080] =	vst v63  }
0x1ea: {  	p1 =	por p0, !p1  }
.Ltmp32:
0x1eb: {  	_ = 	snop;
	(pc) =	sbr.rel @p1 .LBB2_45-.Ltmp32, $4  }
0x1ec: {  	s25 =	simm.s32 @!p0 $0x3  }
0x1ed: {  	_ =	swait.ge @!p0 [sflag:s25], $0x2000  }
0x1ee: {  	[sflag:s25] =	ssyncset.done @!p0 $0x0  }
0x1ef: {  	[sflag:s25] =	ssyncadd.s32 @!p0 $0xFFFFE000  }
0x1f0: {  	p3 =	seq.s32 s23, $0x1  }
.Ltmp33:
0x1f1: {  	_ = 	snop;
	(pc) =	sbr.rel @p3 .LBB2_33-.Ltmp33, $2  }
0x1f2: {  	_ =	sdelay $0x2  }
0x1f3: {  	v13 =	vor.u32 s24, v2;
	s23 =	sadd.s32 $0xFFFFFFFF, s23;
	p1 =	por $0x0, $0x0;
	p2 =	por $0x0, $0x0  }
0x1f4: {  	vm0 =	vlt.s32 v13, v11;
	_ =	sdelay $0x5  }
0x1f5: {  	v12 =	vld.idx.msk [tilespmem:v13+s16+$0x0], vm0;
	_ =	sdelay $0x7  }
0x1f6: {  	v13 =	vld.idx.msk [tilespmem:v12+s5+$0x0], vm0;
	_ =	sdelay $0x1  }
0x1f7: {  	p3 =	seq.s32 s23, $0x1  }
.Ltmp34:
0x1f8: {  	_ = 	snop;
	(pc) =	sbr.rel @p3 .LBB2_48-.Ltmp34, $4  }
0x1f9: {  	_ = 	snop  }
0x1fa: {  	vm1 =	vgt.s32 v13, $0xF41FF  }
0x1fb: {  	s25 =	sadd.s32 $0x10, s24;
	vm0 =	vmand vm0, vm1  }
0x1fc: {  	s23 =	sadd.s32 $0xFFFFFFFF, s23;
	p1 =	por $0x1, $0x1;
	v13 =	vor.u32 s25, v2;
	v14 =	vmpcnt.ones.xlane vm0  }
0x1fd: {  	vm1 =	vlt.s32 v13, v11;
	_ =	sdelay $0x4  }
0x1fe: {  	[tilespmem:s24+$0x8000] =	vst.msk vm0, v12  }
0x1ff: {  	v12 =	vld.idx.msk [tilespmem:v13+s16+$0x0], vm1;
	_ =	sdelay $0x5  }
0x200: {  	v13 =	vxor.u32 $0x80000000, v14  }
0x201: {  	(xrf0) =	vmax.scan.msk.u32 $0xffff, v13  }
0x202: {  	v13 =	vld.idx.msk [tilespmem:v12+s5+$0x0], vm1;
	_ =	sdelay $0x4  }
0x203: {  	vm0 =	vgt.s32 v13, $0xF41FF;
	v13, _, _ =	vpop (xrf0)  }
0x204: {  	(v2sf) =	vpush v13, $0xF;
	_ =	sdelay $0x7  }
0x205: {  	p3 =	seq.s32 s23, $0x1  }
.Ltmp35:
0x206: {  	_ = 	snop;
	(pc) =	sbr.rel @p3 .LBB2_50-.Ltmp35, $3  }
0x207: {  	_ =	sdelay $0x1  }
0x208: {  	s25 =	sadd.s32 $0x10, s25;
	vm0 =	vmand vm1, vm0  }
0x209: {  	s26 =	sadd.s32 $0xFFFFFFFF, s23;
	p2 =	por $0x1, $0x1;
	s23 =	simm.s32 @!p0 $0x0;
	v13 =	vor.u32 s25, v2;
	v14 =	vmpcnt.ones.xlane vm0  }
.LBB2_51:
0x20a: {  	p3 =	seq.s32 s26, $0x1;
	vm1 =	vlt.s32 v13, v11  }
0x20b: {  	v14 =	vxor.u32 $0x80000000, v14;
	s28 =	spop (v2sf)  }
0x20c: {  	(xrf0) =	vmax.scan.msk.u32 $0xffff, v14;
	s23 =	sadd.s32 s28, s23  }
0x20d: {  	s23 =	sadd.s32 $0x80000000, s23  }
0x20e: {  	[tilespmem:s23+$0x8000] =	vst.msk vm0, v12;
	_ =	sdelay $0x1  }
0x20f: {  	v12 =	vld.idx.msk [tilespmem:v13+s16+$0x0], vm1;
	_ =	sdelay $0x1  }
0x210: {  	v13, _, _ =	vpop (xrf0)  }
0x211: {  	(v2sf) =	vpush v13, $0xF;
	_ =	sdelay $0x4  }
0x212: {  	v13 =	vld.idx.msk [tilespmem:v12+s5+$0x0], vm1;
	_ =	sdelay $0x3  }
.Ltmp36:
0x213: {  	(pc) =	sbr.rel @!p3 .LBB2_51-.Ltmp36, $4  }
0x214: {  	_ = 	snop  }
0x215: {  	vm0 =	vgt.s32 v13, $0xF41FF  }
0x216: {  	s25 =	sadd.s32 $0x10, s25;
	vm0 =	vmand vm1, vm0  }
0x217: {  	s26 =	sadd.s32 $0xFFFFFFFF, s26;
	v13 =	vor.u32 s25, v2;
	v14 =	vmpcnt.ones.xlane vm0  }
.LBB2_52:
0x218: {  	vm1 =	vlt.s32 v13, v11  }
0x219: {  	s25 =	spop @p2 (v2sf)  }
0x21a: {  	s23 =	sadd.s32 @p2 s25, s23  }
0x21b: {  	s25 =	simm.s32 @!p0 $0x0;
	s23 =	sadd.s32 @p2 $0x80000000, s23  }
0x21c: {  	s25 =	smov.u32 @p2 s23  }
0x21d: {  	[tilespmem:s25+$0x8000] =	vst.msk @p1 vm0, v12  }
0x21e: {  	v11 =	vld.idx.msk [tilespmem:v13+s16+$0x0], vm1;
	_ =	sdelay $0x7  }
0x21f: {  	v12 =	vld.idx.msk [tilespmem:v11+s5+$0x0], vm1;
	_ =	sdelay $0x4  }
0x220: {  	vm15 =	vgt.s32 v12, $0xF41FF  }
0x221: {  	v12 =	vxor.u32 @p1 $0x80000000, v14;
	vm0 =	vmand vm1, vm15  }
0x222: {  	(xrf0) =	vmax.scan.msk.u32 @p1 $0xffff, v12;
	v62 =	vmpcnt.ones.xlane vm0;
	_ =	sdelay $0x1  }
0x223: {  	v12 =	vxor.u32 $0x80000000, v62  }
0x224: {  	(xrf0) =	vmax.scan.msk.u32 $0xffff, v12;
	_ =	sdelay $0x2  }
0x225: {  	v12, _, _ =	vpop @p1 (xrf0)  }
0x226: {  	(v2sf) =	vpush @p1 v12, $0xF;
	_ =	sdelay $0x1  }
0x227: {  	v63, _, _ =	vpop (xrf0)  }
0x228: {  	(v2sf) =	vpush v63, $0xF;
	_ =	sdelay $0xb  }
0x229: {  	s23 =	spop @p1 (v2sf)  }
0x22a: {  	s23 =	sadd.s32 @p1 s23, s25  }
0x22b: {  	s23 =	sadd.s32 @p1 $0x80000000, s23  }
0x22c: {  	s24 =	smov.u32 @p1 s23;
	s23 =	spop (v2sf)  }
0x22d: {  	s31 =	sadd.s32 s23, s24  }
0x22e: {  	[tilespmem:s24+$0x8000] =	vst.msk vm0, v11;
	s25 =	sadd.s32 $0x80000000, s31  }
0x22f: {  	p1 =	slt.s32 s25, $0x1  }
.Ltmp37:
0x230: {  	_ = 	snop;
	(pc) =	sbr.rel @p1 .LBB2_45-.Ltmp37, $1  }
0x231: {  	_ =	sdelay $0x3  }
0x232: {  	s23 =	sadd.s32 s24, s23  }
0x233: {  	s23 =	sadd.s32 $0x80000000, s23  }
0x234: {  	p2 =	sne.s32 s23, $0x1  }
.Ltmp38:
0x235: {  	_ = 	snop;
	(pc) =	sbr.rel @!p2 .LBB2_44-.Ltmp38, $3  }
0x236: {  	_ =	sdelay $0x1  }
0x237: {  	s31 =	simm.s32 $0x0  }
0x238: {  	s25 =	simm.s32 $0x1;
	p1 =	por $0x0, $0x0;
	v11 =	vmov s31  }
0x239: {  	_ =	sdelay $0x3  }
0x23a: {  	v11 =	vld.idx.msk [tilespmem:v11+s17+$0x0], $0xffff;
	_ =	sdelay $0x7  }
0x23b: {  	v12 =	vld.idx.msk [tilespmem:v11+s5+$0x0], $0xffff;
	_ =	sdelay $0x4  }
0x23c: {  	v12 =	vshll.u32 v12, $0x7  }
0x23d: {  	v13 =	vadd.s32 v7, v12;
	_ =	sdelay $0x1  }
0x23e: {  	v11 =	vxor.u32 $0x80000000, v11  }
0x23f: {  	(xrf0) =	vmax.scan.msk.u32 $0xffff, v11;
	_ =	sdelay $0x1  }
0x240: {  	v11 =	vld.idx.msk [tilespmem:v13+s19+$0x0], $0xffff  }
0x241: {  	v62 =	vadd.s32 v8, v12;
	_ =	sdelay $0x2  }
0x242: {  	v14, _, _ =	vpop (xrf0)  }
0x243: {  	(v2sf) =	vpush v14, $0xF;
	[tilespmem:$0x1C000] =	vst v11  }
0x244: {  	v11 =	vld.idx.msk [tilespmem:v62+s19+$0x0], $0xffff  }
0x245: {  	v63 =	vadd.s32 v9, v12;
	_ =	sdelay $0x3  }
0x246: {  	[tilespmem:$0x1C010] =	vst v11  }
0x247: {  	v11 =	vld.idx.msk [tilespmem:v63+s19+$0x0], $0xffff  }
0x248: {  	v12 =	vadd.s32 v10, v12;
	_ =	sdelay $0x3  }
0x249: {  	[tilespmem:$0x1C020] =	vst v11  }
0x24a: {  	v11 =	vld.idx.msk [tilespmem:v12+s19+$0x0], $0xffff;
	_ =	sdelay $0x1  }
0x24b: {  	s24 =	spop (v2sf)  }
0x24c: {  	p2 =	sne.s32 s23, $0x2;
	s24 =	sshll.u32 s24, $0x3  }
.Ltmp39:
0x24d: {  	s24 =	sand.u32 $0x1FFFFFF8, s24;
	(pc) =	sbr.rel @!p2 .LBB2_44-.Ltmp39, $4  }
0x24e: {  	s24 =	sadd.s32 s4, s24;
	[tilespmem:$0x1C030] =	vst v11;
	v11 =	vmov s25  }
0x24f: {  	[hbm4b:s24+s5] =	stream.linear.scatter [tilespmem:s18], [sflag:$0x3], $0x40, $0x38;
	[tilespmem:$0x1E080] =	vst v63  }
0x250: {  	_ =	swait.ge [sflag:s12], $0x40  }
0x251: {  	p1 =	por $0x1, $0x1;
	s24 =	simm.s32 $0x2;
	[sflag:s12] =	ssyncset.done $0x0  }
.LBB2_43:
0x252: {  	[sflag:s12] =	ssyncadd.s32 $0xFFFFFFC0;
	s25 =	smov.u32 s24;
	s24 =	sadd.s32 $0x1, s24  }
0x253: {  	p2 =	sne.s32 s23, s24;
	v11 =	vld.idx.msk [tilespmem:v11+s17+$0x0], $0xffff;
	_ =	sdelay $0x5  }
0x254: {  	v12 =	vxor.u32 $0x80000000, v11  }
0x255: {  	(xrf0) =	vmax.scan.msk.u32 $0xffff, v12  }
0x256: {  	v11 =	vld.idx.msk [tilespmem:v11+s5+$0x0], $0xffff;
	_ =	sdelay $0x4  }
0x257: {  	v12, _, _ =	vpop (xrf0)  }
0x258: {  	v11 =	vshll.u32 v11, $0x7;
	(v2sf) =	vpush v12, $0xF  }
0x259: {  	v12 =	vadd.s32 v7, v11;
	_ =	sdelay $0x4  }
0x25a: {  	v12 =	vld.idx.msk [tilespmem:v12+s19+$0x0], $0xffff;
	_ =	sdelay $0x1  }
0x25b: {  	v13 =	vadd.s32 v8, v11;
	_ =	sdelay $0x3  }
0x25c: {  	[tilespmem:$0x1C000] =	vst v12  }
0x25d: {  	v12 =	vld.idx.msk [tilespmem:v13+s19+$0x0], $0xffff;
	_ =	sdelay $0x1  }
0x25e: {  	v13 =	vadd.s32 v9, v11;
	s26 =	spop (v2sf)  }
0x25f: {  	s26 =	sshll.u32 s26, $0x3  }
0x260: {  	s26 =	sand.u32 $0x1FFFFFF8, s26;
	_ =	sdelay $0x1  }
0x261: {  	[tilespmem:$0x1C010] =	vst v12  }
0x262: {  	v12 =	vld.idx.msk [tilespmem:v13+s19+$0x0], $0xffff;
	_ =	sdelay $0x1  }
0x263: {  	v11 =	vadd.s32 v10, v11;
	_ =	sdelay $0x3  }
0x264: {  	[tilespmem:$0x1C020] =	vst v12  }
0x265: {  	v12 =	vld.idx.msk [tilespmem:v11+s19+$0x0], $0xffff;
	_ =	sdelay $0x4  }
.Ltmp40:
0x266: {  	(pc) =	sbr.rel @p2 .LBB2_43-.Ltmp40, $4  }
0x267: {  	v11 =	vmov s25;
	s25 =	sadd.s32 s4, s26;
	[tilespmem:$0x1C030] =	vst v12  }
0x268: {  	[hbm4b:s25+s5] =	stream.linear.scatter [tilespmem:s18], [sflag:$0x3], $0x40, $0x38;
	[tilespmem:$0x1E080] =	vst v63  }
0x269: {  	_ =	swait.ge [sflag:s12], $0x40  }
0x26a: {  	[sflag:s12] =	ssyncset.done $0x0  }
.Ltmp41:
0x26b: {  	_ = 	snop;
	(pc) =	sbr.rel .LBB2_44-.Ltmp41, $1  }
0x26c: {  	_ =	sdelay $0x3  }
.LBB2_33:
.Ltmp42:
0x26d: {  	(pc) =	sbr.rel .LBB2_52-.Ltmp42, $2  }
0x26e: {  	_ =	sdelay $0x2  }
0x26f: {  	s23 =	simm.s32 @!p0 $0x0  }
.LBB2_48:
.Ltmp43:
0x270: {  	(pc) =	sbr.rel .LBB2_52-.Ltmp43, $2  }
0x271: {  	_ =	sdelay $0x2  }
0x272: {  	s23 =	simm.s32 @!p0 $0x0  }
.LBB2_50:
.Ltmp44:
0x273: {  	(pc) =	sbr.rel .LBB2_52-.Ltmp44, $2  }
0x274: {  	_ =	sdelay $0x2  }
0x275: {  	s23 =	simm.s32 @!p0 $0x0  }
.LBB2_46:
0x276: {  	_ =	sfence.sel $0x180000  }
0x277: {  	[bflag:$0x0] =	sbarrier.arrive $0xFFFF  }
0x278: {  	p0 =	sne.s32 s0, $0x0;
	_ =	strace $0x90000047  }
0x279: {  	s0 =	sadd.s32 @!p0 $0x100000, s3;
	[bflag:$0x2] =	sbarrier.arrive $0xFFFF  }
0x27a: {  	[sflag:s0] =	ssyncadd.tile.s32 @!p0 $0x1;
	_ =	shalt  }
.Lfunc_end2:
_tile_overlayer_lowered:
.L_overlay_start_2:
0x27b: {  	(tag) =	ssettag $0x2  }
0x27c: {  	s0 =	rddreg [dreg:$0x0];
	s2 =	stileid.u32  }
0x27d: {  	s1 =	rddreg [dreg:$0x1];
	p0 =	sne.s32 s2, $0x0  }
0x27e: {  	s3 =	rddreg [dreg:$0x2];
	[bflag:$0x3] =	sbarrier.arrive $0xFFFF;
	s2 =	simm.s32 @!p0 $0x1C03  }
0x27f: {  	[timem:s3], [sflag:s2] =	dma.local @!p0 [hbm:s0], s1  }
0x280: {  	s0 =	simm.s32 @!p0 $0x3  }
0x281: {  	_ =	swait.ge @!p0 [sflag:s0], s1  }
0x282: {  	s1 =	ssub.s32 @!p0 $0x0, s1;
	[sflag:s0] =	ssyncset.done @!p0 $0x0  }
0x283: {  	[sflag:s0] =	ssyncadd.s32 @!p0 s1  }
0x284: {  	[bflag:$0x3] =	sbarrier.arrive $0xFFFF  }
0x285: {  	_ =	shalt  }

</sc_bundles>
